<compile_context>
chip_gen: v7x
topology: tpu7x:2x2x1
jax: 0.10.2.dev20260603
libtpu: 0.0.44.dev20260713+nightly
codegen_flags: <defaults>
</compile_context>

<pallas_src>
import jax
import jax.numpy as jnp
from jax import lax
from jax.experimental import pallas as pl
from jax.experimental.pallas import tpu as pltpu
from jax.experimental.pallas import tpu_sc as plsc

VOCAB = 1000000
D = 64
W = 200
B = 4096

NC = 2
NS = 16
NW = NC * NS

ROWS = B * W
ROWS_PER_W = ROWS // NW
CHUNKS_PER_W = ROWS_PER_W // W


def _gather(tp_hbm, idx_v, idxT_v, b, g_v, sem):
    c0 = pltpu.async_copy(
        tp_hbm.at[idx_v.at[b]], g_v.at[b, pl.ds(0, 128)], sem)
    c1 = pltpu.async_copy(
        tp_hbm.at[idxT_v.at[b]], g_v.at[b, pl.ds(W - 128, 128)], sem)
    return c0, c1


def _k2_body(idx_hbm, idxT_hbm, tp_hbm, pe_hbm, out_hbm,
             idx_v, idxT_v, g_v, rows_v, pe_v, gsem, osem):
    wid = lax.axis_index("s") * NC + lax.axis_index("c")
    base_w = wid * ROWS_PER_W

    pltpu.sync_copy(pe_hbm, pe_v)

    def out_copy(b, base):
        return pltpu.make_async_copy(
            rows_v.at[b], out_hbm.at[pl.ds(base, W)], osem.at[b])

    pltpu.sync_copy(idx_hbm.at[wid, 0], idx_v.at[0])
    pltpu.sync_copy(idxT_hbm.at[wid, 0], idxT_v.at[0])
    _gather(tp_hbm, idx_v, idxT_v, 0, g_v, gsem.at[0])

    @pl.loop(0, CHUNKS_PER_W, step=2)
    def _pair(g0):
        for b in range(2):
            g = g0 + b
            nb = 1 - b
            base = base_w + g * W

            @pl.when(g + 1 < CHUNKS_PER_W)
            def _prefetch():
                @pl.when(g >= 1)
                def _drain_prev_store():
                    out_copy(nb, base - W).wait()

                pltpu.sync_copy(idx_hbm.at[wid, g + 1], idx_v.at[nb])
                pltpu.sync_copy(idxT_hbm.at[wid, g + 1], idxT_v.at[nb])
                _gather(tp_hbm, idx_v, idxT_v, nb, g_v, gsem.at[nb])

            c0 = pltpu.make_async_copy(
                tp_hbm.at[idx_v.at[b]], g_v.at[b, pl.ds(0, 128)],
                gsem.at[b])
            c1 = pltpu.make_async_copy(
                tp_hbm.at[idxT_v.at[b]], g_v.at[b, pl.ds(W - 128, 128)],
                gsem.at[b])
            c0.wait()
            c1.wait()

            @pl.loop(0, W // 2)
            def _row(j):
                for t in range(2):
                    w = 2 * j + t
                    for c in range(D // 16):
                        rows_v[b, w, pl.ds(c * 16, 16)] = (
                            g_v[b, w, pl.ds(c * 16, 16)]
                            + pe_v[j, pl.ds(t * D + c * 16, 16)])

            out_copy(b, base).start()

    out_copy((CHUNKS_PER_W - 1) % 2,
             base_w + (CHUNKS_PER_W - 1) * W).wait()


def kernel(x, table, pos_enc):
    idx = x.reshape(ROWS).astype(jnp.int32)
    flat = idx.reshape(NW * CHUNKS_PER_W, W)
    idxb = flat[:, :128].reshape(NW, CHUNKS_PER_W, 128)
    idxTb = flat[:, W - 128:].reshape(NW, CHUNKS_PER_W, 128)
    pe2 = pos_enc.reshape(W // 2, 2 * D)
    mesh = plsc.VectorSubcoreMesh(core_axis_name="c", subcore_axis_name="s")

    t_pad = jnp.pad(table, ((0, 0), (0, D)))

    out = pl.kernel(
        _k2_body,
        out_type=jax.ShapeDtypeStruct((ROWS, D), jnp.float32),
        mesh=mesh,
        compiler_params=pltpu.CompilerParams(use_tc_tiling_on_sc=True),
        scratch_types=[
            pltpu.VMEM((2, 128), jnp.int32),
            pltpu.VMEM((2, 128), jnp.int32),
            pltpu.VMEM((2, W, 2 * D), jnp.float32),
            pltpu.VMEM((2, W, D), jnp.float32),
            pltpu.VMEM((W // 2, 2 * D), jnp.float32),
            pltpu.SemaphoreType.DMA((2,)),
            pltpu.SemaphoreType.DMA((2,)),
        ],
    )(idxb, idxTb, t_pad, pe2)
    return out.reshape(B, W, D)

# --- scband reference (transcript-rebuilt; emitter-appended) ---
"""Pipeline reference for scband-embedding-61375082660261 (READ-ONLY COPY).

The authoritative reference and input builder live on the scoring server;
editing this copy changes nothing except your own understanding.
"""

import jax, jax.numpy as jnp
import numpy as np

VOCAB = 1000000
D_EMB = 64
WINDOW = 200
BATCH = 4096

def _positional_encoding(window_length, d_embedding):
    pos = np.arange(window_length, dtype=np.float64)[:, None]
    dim = np.arange(d_embedding, dtype=np.float64)[None, :]
    t = np.sin(pos / (10000.0 ** (2.0 * dim / d_embedding)))
    return jnp.asarray(t, dtype=jnp.float32)

def setup_inputs(seed: int = 0) -> dict:
    key = jax.random.key(seed)
    k1, k2 = jax.random.split(key)
    x = jax.random.randint(k1, (BATCH, WINDOW), 0, VOCAB)
    table = jax.random.normal(k2, (VOCAB, D_EMB), dtype=jnp.float32)
    pos_enc = _positional_encoding(WINDOW, D_EMB)
    return {"x": x, "table": table, "pos_enc": pos_enc}

def reference(x, table, pos_enc):
    # embedding lookup: gather rows of the table
    emb = jnp.take(table, x, axis=0)  # [B, W, D]
    # add positional encoding to every batch element (matches the torch loop)
    out = emb + pos_enc[None, :, :]
    return out

if __name__ == "__main__":
    import jax
    _d = setup_inputs()
    print(jax.jit(kernel)(*tuple(_d.values())))

</pallas_src>

<mosaic_0001>
#map = affine_map<(d0, d1) -> (0, 0, 0)>
#map1 = affine_map<(d0, d1) -> (0, 0)>
module attributes {stable_mosaic.version = 14 : i64} {
  func.func @_k2_body(%arg0: i32, %arg1: i32, %arg2: memref<32x128x128xi32, #tpu.memory_space<hbm>>, %arg3: memref<32x128x128xi32, #tpu.memory_space<hbm>>, %arg4: memref<1000000x128xf32, #tpu.memory_space<hbm>>, %arg5: memref<100x128xf32, #tpu.memory_space<hbm>>, %arg6: memref<819200x64xf32, #tpu.memory_space<hbm>>, %arg7: memref<2x128xi32, #tpu.memory_space<vmem>>, %arg8: memref<2x128xi32, #tpu.memory_space<vmem>>, %arg9: memref<2x200x128xf32, #tpu.memory_space<vmem>>, %arg10: memref<2x200x64xf32, #tpu.memory_space<vmem>>, %arg11: memref<100x128xf32, #tpu.memory_space<vmem>>, %arg12: memref<2x!tpu.dma_semaphore, #tpu.memory_space<semaphore_mem>>, %arg13: memref<2x!tpu.dma_semaphore, #tpu.memory_space<semaphore_mem>>) attributes {dimension_semantics = [#tpu.dimension_semantics<core_parallel>, #tpu.dimension_semantics<subcore_parallel>], iteration_bounds = array<i64: 2, 16>, scalar_prefetch = 0 : i64, scratch_operands = 7 : i64, tpu.core_type = #tpu.core_type<sc_vector_subcore>, window_params = [{transform_indices = #map}, {transform_indices = #map}, {transform_indices = #map1}, {transform_indices = #map1}, {transform_indices = #map1}]} {
    %mul3A = arith.constant 2 : i32
    %mul3A_0 = arith.muli %arg1, %mul3A : i32
    %add3A = arith.addi %mul3A_0, %arg0 : i32
    %mul3A_1 = arith.constant 25600 : i32
    %mul3A_2 = arith.muli %add3A, %mul3A_1 : i32
    "tpu.region"() ({
      %run_scoped3A_56 = tpu.sem_alloc : memref<!tpu.dma_semaphore, #tpu.memory_space<semaphore_mem>>
      tpu.enqueue_dma source(%arg5 : memref<100x128xf32, #tpu.memory_space<hbm>>) target(%arg11 : memref<100x128xf32, #tpu.memory_space<vmem>>) target_semaphore(%run_scoped3A_56 : memref<!tpu.dma_semaphore, #tpu.memory_space<semaphore_mem>>)
      tpu.wait_dma2 semaphore(%run_scoped3A_56 : memref<!tpu.dma_semaphore, #tpu.memory_space<semaphore_mem>>) src(%arg5 : memref<100x128xf32, #tpu.memory_space<hbm>>) dst(%arg11 : memref<100x128xf32, #tpu.memory_space<vmem>>)
      tpu.yield
    }) : () -> ()
    %run_scoped3A = arith.constant 0 : i32
    %run_scoped3A_3 = arith.constant 0 : i32
    "tpu.region"() ({
      %run_scoped3A_56 = tpu.sem_alloc : memref<!tpu.dma_semaphore, #tpu.memory_space<semaphore_mem>>
      %dma_start3A_57 = arith.constant 0 : i32
      %dma_start3A_58 = tpu.memref_slice %arg7[%run_scoped3A_3, %dma_start3A_57] : memref<2x128xi32, #tpu.memory_space<vmem>> -> memref<1x128xi32, #tpu.memory_space<vmem>>
      %dma_start3A_59 = tpu.memref_squeeze %dma_start3A_58 : memref<1x128xi32, #tpu.memory_space<vmem>> -> memref<128xi32, #tpu.memory_space<vmem>>
      %dma_start3A_60 = arith.constant 0 : i32
      %dma_start3A_61 = tpu.memref_slice %arg2[%add3A, %run_scoped3A, %dma_start3A_60] : memref<32x128x128xi32, #tpu.memory_space<hbm>> -> memref<1x1x128xi32, #tpu.memory_space<hbm>>
      %dma_start3A_62 = tpu.memref_squeeze %dma_start3A_61 : memref<1x1x128xi32, #tpu.memory_space<hbm>> -> memref<128xi32, #tpu.memory_space<hbm>>
      %dma_start3A_63 = arith.constant 0 : i32
      %dma_start3A_64 = tpu.memref_slice %arg7[%run_scoped3A_3, %dma_start3A_63] : memref<2x128xi32, #tpu.memory_space<vmem>> -> memref<1x128xi32, #tpu.memory_space<vmem>>
      %dma_start3A_65 = tpu.memref_squeeze %dma_start3A_64 : memref<1x128xi32, #tpu.memory_space<vmem>> -> memref<128xi32, #tpu.memory_space<vmem>>
      %dma_start3A_66 = arith.constant 0 : i32
      %dma_start3A_67 = tpu.memref_slice %arg2[%add3A, %run_scoped3A, %dma_start3A_66] : memref<32x128x128xi32, #tpu.memory_space<hbm>> -> memref<1x1x128xi32, #tpu.memory_space<hbm>>
      %dma_start3A_68 = tpu.memref_squeeze %dma_start3A_67 : memref<1x1x128xi32, #tpu.memory_space<hbm>> -> memref<128xi32, #tpu.memory_space<hbm>>
      tpu.enqueue_dma source(%dma_start3A_68 : memref<128xi32, #tpu.memory_space<hbm>>) target(%dma_start3A_65 : memref<128xi32, #tpu.memory_space<vmem>>) target_semaphore(%run_scoped3A_56 : memref<!tpu.dma_semaphore, #tpu.memory_space<semaphore_mem>>)
      %dma_wait3A_69 = arith.constant 0 : i32
      %dma_wait3A_70 = tpu.memref_slice %arg7[%run_scoped3A_3, %dma_wait3A_69] : memref<2x128xi32, #tpu.memory_space<vmem>> -> memref<1x128xi32, #tpu.memory_space<vmem>>
      %dma_wait3A_71 = tpu.memref_squeeze %dma_wait3A_70 : memref<1x128xi32, #tpu.memory_space<vmem>> -> memref<128xi32, #tpu.memory_space<vmem>>
      %dma_wait3A_72 = arith.constant 0 : i32
      %dma_wait3A_73 = tpu.memref_slice %arg2[%add3A, %run_scoped3A, %dma_wait3A_72] : memref<32x128x128xi32, #tpu.memory_space<hbm>> -> memref<1x1x128xi32, #tpu.memory_space<hbm>>
      %dma_wait3A_74 = tpu.memref_squeeze %dma_wait3A_73 : memref<1x1x128xi32, #tpu.memory_space<hbm>> -> memref<128xi32, #tpu.memory_space<hbm>>
      %dma_wait3A_75 = arith.constant 0 : i32
      %dma_wait3A_76 = tpu.memref_slice %arg7[%run_scoped3A_3, %dma_wait3A_75] : memref<2x128xi32, #tpu.memory_space<vmem>> -> memref<1x128xi32, #tpu.memory_space<vmem>>
      %dma_wait3A_77 = tpu.memref_squeeze %dma_wait3A_76 : memref<1x128xi32, #tpu.memory_space<vmem>> -> memref<128xi32, #tpu.memory_space<vmem>>
      %dma_wait3A_78 = arith.constant 0 : i32
      %dma_wait3A_79 = tpu.memref_slice %arg2[%add3A, %run_scoped3A, %dma_wait3A_78] : memref<32x128x128xi32, #tpu.memory_space<hbm>> -> memref<1x1x128xi32, #tpu.memory_space<hbm>>
      %dma_wait3A_80 = tpu.memref_squeeze %dma_wait3A_79 : memref<1x1x128xi32, #tpu.memory_space<hbm>> -> memref<128xi32, #tpu.memory_space<hbm>>
      tpu.wait_dma2 semaphore(%run_scoped3A_56 : memref<!tpu.dma_semaphore, #tpu.memory_space<semaphore_mem>>) src(%dma_wait3A_80 : memref<128xi32, #tpu.memory_space<hbm>>) dst(%dma_wait3A_77 : memref<128xi32, #tpu.memory_space<vmem>>)
      tpu.yield
    }) : () -> ()
    %run_scoped3A_4 = arith.constant 0 : i32
    %run_scoped3A_5 = arith.constant 0 : i32
    "tpu.region"() ({
      %run_scoped3A_56 = tpu.sem_alloc : memref<!tpu.dma_semaphore, #tpu.memory_space<semaphore_mem>>
      %dma_start3A_57 = arith.constant 0 : i32
      %dma_start3A_58 = tpu.memref_slice %arg8[%run_scoped3A_5, %dma_start3A_57] : memref<2x128xi32, #tpu.memory_space<vmem>> -> memref<1x128xi32, #tpu.memory_space<vmem>>
      %dma_start3A_59 = tpu.memref_squeeze %dma_start3A_58 : memref<1x128xi32, #tpu.memory_space<vmem>> -> memref<128xi32, #tpu.memory_space<vmem>>
      %dma_start3A_60 = arith.constant 0 : i32
      %dma_start3A_61 = tpu.memref_slice %arg3[%add3A, %run_scoped3A_4, %dma_start3A_60] : memref<32x128x128xi32, #tpu.memory_space<hbm>> -> memref<1x1x128xi32, #tpu.memory_space<hbm>>
      %dma_start3A_62 = tpu.memref_squeeze %dma_start3A_61 : memref<1x1x128xi32, #tpu.memory_space<hbm>> -> memref<128xi32, #tpu.memory_space<hbm>>
      %dma_start3A_63 = arith.constant 0 : i32
      %dma_start3A_64 = tpu.memref_slice %arg8[%run_scoped3A_5, %dma_start3A_63] : memref<2x128xi32, #tpu.memory_space<vmem>> -> memref<1x128xi32, #tpu.memory_space<vmem>>
      %dma_start3A_65 = tpu.memref_squeeze %dma_start3A_64 : memref<1x128xi32, #tpu.memory_space<vmem>> -> memref<128xi32, #tpu.memory_space<vmem>>
      %dma_start3A_66 = arith.constant 0 : i32
      %dma_start3A_67 = tpu.memref_slice %arg3[%add3A, %run_scoped3A_4, %dma_start3A_66] : memref<32x128x128xi32, #tpu.memory_space<hbm>> -> memref<1x1x128xi32, #tpu.memory_space<hbm>>
      %dma_start3A_68 = tpu.memref_squeeze %dma_start3A_67 : memref<1x1x128xi32, #tpu.memory_space<hbm>> -> memref<128xi32, #tpu.memory_space<hbm>>
      tpu.enqueue_dma source(%dma_start3A_68 : memref<128xi32, #tpu.memory_space<hbm>>) target(%dma_start3A_65 : memref<128xi32, #tpu.memory_space<vmem>>) target_semaphore(%run_scoped3A_56 : memref<!tpu.dma_semaphore, #tpu.memory_space<semaphore_mem>>)
      %dma_wait3A_69 = arith.constant 0 : i32
      %dma_wait3A_70 = tpu.memref_slice %arg8[%run_scoped3A_5, %dma_wait3A_69] : memref<2x128xi32, #tpu.memory_space<vmem>> -> memref<1x128xi32, #tpu.memory_space<vmem>>
      %dma_wait3A_71 = tpu.memref_squeeze %dma_wait3A_70 : memref<1x128xi32, #tpu.memory_space<vmem>> -> memref<128xi32, #tpu.memory_space<vmem>>
      %dma_wait3A_72 = arith.constant 0 : i32
      %dma_wait3A_73 = tpu.memref_slice %arg3[%add3A, %run_scoped3A_4, %dma_wait3A_72] : memref<32x128x128xi32, #tpu.memory_space<hbm>> -> memref<1x1x128xi32, #tpu.memory_space<hbm>>
      %dma_wait3A_74 = tpu.memref_squeeze %dma_wait3A_73 : memref<1x1x128xi32, #tpu.memory_space<hbm>> -> memref<128xi32, #tpu.memory_space<hbm>>
      %dma_wait3A_75 = arith.constant 0 : i32
      %dma_wait3A_76 = tpu.memref_slice %arg8[%run_scoped3A_5, %dma_wait3A_75] : memref<2x128xi32, #tpu.memory_space<vmem>> -> memref<1x128xi32, #tpu.memory_space<vmem>>
      %dma_wait3A_77 = tpu.memref_squeeze %dma_wait3A_76 : memref<1x128xi32, #tpu.memory_space<vmem>> -> memref<128xi32, #tpu.memory_space<vmem>>
      %dma_wait3A_78 = arith.constant 0 : i32
      %dma_wait3A_79 = tpu.memref_slice %arg3[%add3A, %run_scoped3A_4, %dma_wait3A_78] : memref<32x128x128xi32, #tpu.memory_space<hbm>> -> memref<1x1x128xi32, #tpu.memory_space<hbm>>
      %dma_wait3A_80 = tpu.memref_squeeze %dma_wait3A_79 : memref<1x1x128xi32, #tpu.memory_space<hbm>> -> memref<128xi32, #tpu.memory_space<hbm>>
      tpu.wait_dma2 semaphore(%run_scoped3A_56 : memref<!tpu.dma_semaphore, #tpu.memory_space<semaphore_mem>>) src(%dma_wait3A_80 : memref<128xi32, #tpu.memory_space<hbm>>) dst(%dma_wait3A_77 : memref<128xi32, #tpu.memory_space<vmem>>)
      tpu.yield
    }) : () -> ()
    %dma_start3A = arith.constant 0 : i32
    %dma_start3A_6 = arith.constant 0 : i32
    %dma_start3A_7 = arith.constant 0 : i32
    %dma_start3A_8 = arith.constant 0 : i32
    %dma_start3A_9 = arith.constant 0 : i32
    %dma_start3A_10 = tpu.memref_slice %arg9[%dma_start3A_6, %dma_start3A_8, %dma_start3A_9] : memref<2x200x128xf32, #tpu.memory_space<vmem>> -> memref<1x128x128xf32, #tpu.memory_space<vmem>>
    %dma_start3A_11 = tpu.memref_squeeze %dma_start3A_10 : memref<1x128x128xf32, #tpu.memory_space<vmem>> -> memref<128x128xf32, #tpu.memory_space<vmem>>
    %dma_start3A_12 = arith.constant 0 : i32
    %dma_start3A_13 = tpu.memref_slice %arg7[%dma_start3A, %dma_start3A_12] : memref<2x128xi32, #tpu.memory_space<vmem>> -> memref<1x128xi32, #tpu.memory_space<vmem>>
    %dma_start3A_14 = tpu.memref_squeeze %dma_start3A_13 : memref<1x128xi32, #tpu.memory_space<vmem>> -> memref<128xi32, #tpu.memory_space<vmem>>
    %dma_start3A_15 = arith.constant 0 : i32
    %dma_start3A_16 = arith.constant 0 : i32
    %dma_start3A_17 = tpu.memref_slice %arg4[%dma_start3A_15, %dma_start3A_16] : memref<1000000x128xf32, #tpu.memory_space<hbm>> -> memref<1000000x128xf32, #tpu.memory_space<hbm>>
    %dma_start3A_18 = tpu.memref_slice %arg12[%dma_start3A_7] : memref<2x!tpu.dma_semaphore, #tpu.memory_space<semaphore_mem>> -> memref<1x!tpu.dma_semaphore, #tpu.memory_space<semaphore_mem>>
    %dma_start3A_19 = tpu.memref_squeeze %dma_start3A_18 : memref<1x!tpu.dma_semaphore, #tpu.memory_space<semaphore_mem>> -> memref<!tpu.dma_semaphore, #tpu.memory_space<semaphore_mem>>
    tpu.enqueue_indirect_dma source(%dma_start3A_17 : memref<1000000x128xf32, #tpu.memory_space<hbm>>) target(%dma_start3A_11 : memref<128x128xf32, #tpu.memory_space<vmem>>) offsets(%dma_start3A_14 : memref<128xi32, #tpu.memory_space<vmem>>) semaphore(%dma_start3A_19 : memref<!tpu.dma_semaphore, #tpu.memory_space<semaphore_mem>>)
    %dma_start3A_20 = arith.constant 0 : i32
    %dma_start3A_21 = arith.constant 0 : i32
    %dma_start3A_22 = arith.constant 0 : i32
    %dma_start3A_23 = arith.constant 72 : i32
    %dma_start3A_24 = arith.constant 0 : i32
    %dma_start3A_25 = tpu.memref_slice %arg9[%dma_start3A_21, %dma_start3A_23, %dma_start3A_24] : memref<2x200x128xf32, #tpu.memory_space<vmem>> -> memref<1x128x128xf32, #tpu.memory_space<vmem>>
    %dma_start3A_26 = tpu.memref_squeeze %dma_start3A_25 : memref<1x128x128xf32, #tpu.memory_space<vmem>> -> memref<128x128xf32, #tpu.memory_space<vmem>>
    %dma_start3A_27 = arith.constant 0 : i32
    %dma_start3A_28 = tpu.memref_slice %arg8[%dma_start3A_20, %dma_start3A_27] : memref<2x128xi32, #tpu.memory_space<vmem>> -> memref<1x128xi32, #tpu.memory_space<vmem>>
    %dma_start3A_29 = tpu.memref_squeeze %dma_start3A_28 : memref<1x128xi32, #tpu.memory_space<vmem>> -> memref<128xi32, #tpu.memory_space<vmem>>
    %dma_start3A_30 = arith.constant 0 : i32
    %dma_start3A_31 = arith.constant 0 : i32
    %dma_start3A_32 = tpu.memref_slice %arg4[%dma_start3A_30, %dma_start3A_31] : memref<1000000x128xf32, #tpu.memory_space<hbm>> -> memref<1000000x128xf32, #tpu.memory_space<hbm>>
    %dma_start3A_33 = tpu.memref_slice %arg12[%dma_start3A_22] : memref<2x!tpu.dma_semaphore, #tpu.memory_space<semaphore_mem>> -> memref<1x!tpu.dma_semaphore, #tpu.memory_space<semaphore_mem>>
    %dma_start3A_34 = tpu.memref_squeeze %dma_start3A_33 : memref<1x!tpu.dma_semaphore, #tpu.memory_space<semaphore_mem>> -> memref<!tpu.dma_semaphore, #tpu.memory_space<semaphore_mem>>
    tpu.enqueue_indirect_dma source(%dma_start3A_32 : memref<1000000x128xf32, #tpu.memory_space<hbm>>) target(%dma_start3A_26 : memref<128x128xf32, #tpu.memory_space<vmem>>) offsets(%dma_start3A_29 : memref<128xi32, #tpu.memory_space<vmem>>) semaphore(%dma_start3A_34 : memref<!tpu.dma_semaphore, #tpu.memory_space<semaphore_mem>>)
    %scan3A = arith.constant 0 : i32
    %scan3A_35 = arith.constant 64 : i32
    %scan3A_36 = arith.addi %scan3A, %scan3A_35 : i32
    %scan3A_37 = arith.constant 1 : i32
    scf.for %scan3A_56 = %scan3A to %scan3A_36 step %scan3A_37  : i32 {
      %mul3A_57 = arith.constant 2 : i32
      %mul3A_58 = arith.muli %scan3A_56, %mul3A_57 : i32
      %add3A_59 = arith.constant 0 : i32
      %add3A_60 = arith.addi %add3A_59, %mul3A_58 : i32
      %add3A_61 = arith.constant 0 : i32
      %add3A_62 = arith.addi %add3A_60, %add3A_61 : i32
      %mul3A_63 = arith.constant 200 : i32
      %mul3A_64 = arith.muli %add3A_62, %mul3A_63 : i32
      %add3A_65 = arith.addi %mul3A_2, %mul3A_64 : i32
      %add3A_66 = arith.constant 1 : i32
      %add3A_67 = arith.addi %add3A_62, %add3A_66 : i32
      %lt3A = arith.constant 128 : i32
      %lt3A_68 = arith.cmpi slt, %add3A_67, %lt3A : i32
      %convert_element_type3A = arith.extui %lt3A_68 : i1 to i32
      %cond3A = arith.constant 0 : i32
      %cond3A_69 = arith.cmpi ne, %convert_element_type3A, %cond3A : i32
      scf.if %cond3A_69 {
        %ge3A = arith.constant 1 : i32
        %ge3A_184 = arith.cmpi sge, %add3A_62, %ge3A : i32
        %convert_element_type3A_185 = arith.extui %ge3A_184 : i1 to i32
        %cond3A_186 = arith.constant 0 : i32
        %cond3A_187 = arith.cmpi ne, %convert_element_type3A_185, %cond3A_186 : i32
        scf.if %cond3A_187 {
          %sub3A = arith.constant 200 : i32
          %sub3A_224 = arith.subi %add3A_65, %sub3A : i32
          %dma_wait3A_225 = arith.constant 1 : i32
          %dma_wait3A_226 = arith.constant 1 : i32
          %dma_wait3A_227 = arith.constant 0 : i32
          %dma_wait3A_228 = arith.constant 0 : i32
          %dma_wait3A_229 = tpu.memref_slice %arg10[%dma_wait3A_225, %dma_wait3A_227, %dma_wait3A_228] : memref<2x200x64xf32, #tpu.memory_space<vmem>> -> memref<1x200x64xf32, #tpu.memory_space<vmem>>
          %dma_wait3A_230 = tpu.memref_squeeze %dma_wait3A_229 : memref<1x200x64xf32, #tpu.memory_space<vmem>> -> memref<200x64xf32, #tpu.memory_space<vmem>>
          %dma_wait3A_231 = arith.constant 0 : i32
          %dma_wait3A_232 = tpu.memref_slice %arg6[%sub3A_224, %dma_wait3A_231] : memref<819200x64xf32, #tpu.memory_space<hbm>> -> memref<200x64xf32, #tpu.memory_space<hbm>>
          %dma_wait3A_233 = tpu.memref_slice %arg13[%dma_wait3A_226] : memref<2x!tpu.dma_semaphore, #tpu.memory_space<semaphore_mem>> -> memref<1x!tpu.dma_semaphore, #tpu.memory_space<semaphore_mem>>
          %dma_wait3A_234 = tpu.memref_squeeze %dma_wait3A_233 : memref<1x!tpu.dma_semaphore, #tpu.memory_space<semaphore_mem>> -> memref<!tpu.dma_semaphore, #tpu.memory_space<semaphore_mem>>
          %dma_wait3A_235 = arith.constant 0 : i32
          %dma_wait3A_236 = tpu.memref_slice %arg6[%sub3A_224, %dma_wait3A_235] : memref<819200x64xf32, #tpu.memory_space<hbm>> -> memref<200x64xf32, #tpu.memory_space<hbm>>
          %dma_wait3A_237 = arith.constant 0 : i32
          %dma_wait3A_238 = arith.constant 0 : i32
          %dma_wait3A_239 = tpu.memref_slice %arg10[%dma_wait3A_225, %dma_wait3A_237, %dma_wait3A_238] : memref<2x200x64xf32, #tpu.memory_space<vmem>> -> memref<1x200x64xf32, #tpu.memory_space<vmem>>
          %dma_wait3A_240 = tpu.memref_squeeze %dma_wait3A_239 : memref<1x200x64xf32, #tpu.memory_space<vmem>> -> memref<200x64xf32, #tpu.memory_space<vmem>>
          tpu.wait_dma2 semaphore(%dma_wait3A_234 : memref<!tpu.dma_semaphore, #tpu.memory_space<semaphore_mem>>) src(%dma_wait3A_240 : memref<200x64xf32, #tpu.memory_space<vmem>>) dst(%dma_wait3A_236 : memref<200x64xf32, #tpu.memory_space<hbm>>)
        } else {
        }
        %add3A_188 = arith.constant 1 : i32
        %add3A_189 = arith.addi %add3A_62, %add3A_188 : i32
        %run_scoped3A_190 = arith.constant 1 : i32
        "tpu.region"() ({
          %run_scoped3A_224 = tpu.sem_alloc : memref<!tpu.dma_semaphore, #tpu.memory_space<semaphore_mem>>
          %dma_start3A_225 = arith.constant 0 : i32
          %dma_start3A_226 = tpu.memref_slice %arg7[%run_scoped3A_190, %dma_start3A_225] : memref<2x128xi32, #tpu.memory_space<vmem>> -> memref<1x128xi32, #tpu.memory_space<vmem>>
          %dma_start3A_227 = tpu.memref_squeeze %dma_start3A_226 : memref<1x128xi32, #tpu.memory_space<vmem>> -> memref<128xi32, #tpu.memory_space<vmem>>
          %dma_start3A_228 = arith.constant 0 : i32
          %dma_start3A_229 = tpu.memref_slice %arg2[%add3A, %add3A_189, %dma_start3A_228] : memref<32x128x128xi32, #tpu.memory_space<hbm>> -> memref<1x1x128xi32, #tpu.memory_space<hbm>>
          %dma_start3A_230 = tpu.memref_squeeze %dma_start3A_229 : memref<1x1x128xi32, #tpu.memory_space<hbm>> -> memref<128xi32, #tpu.memory_space<hbm>>
          %dma_start3A_231 = arith.constant 0 : i32
          %dma_start3A_232 = tpu.memref_slice %arg7[%run_scoped3A_190, %dma_start3A_231] : memref<2x128xi32, #tpu.memory_space<vmem>> -> memref<1x128xi32, #tpu.memory_space<vmem>>
          %dma_start3A_233 = tpu.memref_squeeze %dma_start3A_232 : memref<1x128xi32, #tpu.memory_space<vmem>> -> memref<128xi32, #tpu.memory_space<vmem>>
          %dma_start3A_234 = arith.constant 0 : i32
          %dma_start3A_235 = tpu.memref_slice %arg2[%add3A, %add3A_189, %dma_start3A_234] : memref<32x128x128xi32, #tpu.memory_space<hbm>> -> memref<1x1x128xi32, #tpu.memory_space<hbm>>
          %dma_start3A_236 = tpu.memref_squeeze %dma_start3A_235 : memref<1x1x128xi32, #tpu.memory_space<hbm>> -> memref<128xi32, #tpu.memory_space<hbm>>
          tpu.enqueue_dma source(%dma_start3A_236 : memref<128xi32, #tpu.memory_space<hbm>>) target(%dma_start3A_233 : memref<128xi32, #tpu.memory_space<vmem>>) target_semaphore(%run_scoped3A_224 : memref<!tpu.dma_semaphore, #tpu.memory_space<semaphore_mem>>)
          %dma_wait3A_237 = arith.constant 0 : i32
          %dma_wait3A_238 = tpu.memref_slice %arg7[%run_scoped3A_190, %dma_wait3A_237] : memref<2x128xi32, #tpu.memory_space<vmem>> -> memref<1x128xi32, #tpu.memory_space<vmem>>
          %dma_wait3A_239 = tpu.memref_squeeze %dma_wait3A_238 : memref<1x128xi32, #tpu.memory_space<vmem>> -> memref<128xi32, #tpu.memory_space<vmem>>
          %dma_wait3A_240 = arith.constant 0 : i32
          %dma_wait3A_241 = tpu.memref_slice %arg2[%add3A, %add3A_189, %dma_wait3A_240] : memref<32x128x128xi32, #tpu.memory_space<hbm>> -> memref<1x1x128xi32, #tpu.memory_space<hbm>>
          %dma_wait3A_242 = tpu.memref_squeeze %dma_wait3A_241 : memref<1x1x128xi32, #tpu.memory_space<hbm>> -> memref<128xi32, #tpu.memory_space<hbm>>
          %dma_wait3A_243 = arith.constant 0 : i32
          %dma_wait3A_244 = tpu.memref_slice %arg7[%run_scoped3A_190, %dma_wait3A_243] : memref<2x128xi32, #tpu.memory_space<vmem>> -> memref<1x128xi32, #tpu.memory_space<vmem>>
          %dma_wait3A_245 = tpu.memref_squeeze %dma_wait3A_244 : memref<1x128xi32, #tpu.memory_space<vmem>> -> memref<128xi32, #tpu.memory_space<vmem>>
          %dma_wait3A_246 = arith.constant 0 : i32
          %dma_wait3A_247 = tpu.memref_slice %arg2[%add3A, %add3A_189, %dma_wait3A_246] : memref<32x128x128xi32, #tpu.memory_space<hbm>> -> memref<1x1x128xi32, #tpu.memory_space<hbm>>
          %dma_wait3A_248 = tpu.memref_squeeze %dma_wait3A_247 : memref<1x1x128xi32, #tpu.memory_space<hbm>> -> memref<128xi32, #tpu.memory_space<hbm>>
          tpu.wait_dma2 semaphore(%run_scoped3A_224 : memref<!tpu.dma_semaphore, #tpu.memory_space<semaphore_mem>>) src(%dma_wait3A_248 : memref<128xi32, #tpu.memory_space<hbm>>) dst(%dma_wait3A_245 : memref<128xi32, #tpu.memory_space<vmem>>)
          tpu.yield
        }) : () -> ()
        %add3A_191 = arith.constant 1 : i32
        %add3A_192 = arith.addi %add3A_62, %add3A_191 : i32
        %run_scoped3A_193 = arith.constant 1 : i32
        "tpu.region"() ({
          %run_scoped3A_224 = tpu.sem_alloc : memref<!tpu.dma_semaphore, #tpu.memory_space<semaphore_mem>>
          %dma_start3A_225 = arith.constant 0 : i32
          %dma_start3A_226 = tpu.memref_slice %arg8[%run_scoped3A_193, %dma_start3A_225] : memref<2x128xi32, #tpu.memory_space<vmem>> -> memref<1x128xi32, #tpu.memory_space<vmem>>
          %dma_start3A_227 = tpu.memref_squeeze %dma_start3A_226 : memref<1x128xi32, #tpu.memory_space<vmem>> -> memref<128xi32, #tpu.memory_space<vmem>>
          %dma_start3A_228 = arith.constant 0 : i32
          %dma_start3A_229 = tpu.memref_slice %arg3[%add3A, %add3A_192, %dma_start3A_228] : memref<32x128x128xi32, #tpu.memory_space<hbm>> -> memref<1x1x128xi32, #tpu.memory_space<hbm>>
          %dma_start3A_230 = tpu.memref_squeeze %dma_start3A_229 : memref<1x1x128xi32, #tpu.memory_space<hbm>> -> memref<128xi32, #tpu.memory_space<hbm>>
          %dma_start3A_231 = arith.constant 0 : i32
          %dma_start3A_232 = tpu.memref_slice %arg8[%run_scoped3A_193, %dma_start3A_231] : memref<2x128xi32, #tpu.memory_space<vmem>> -> memref<1x128xi32, #tpu.memory_space<vmem>>
          %dma_start3A_233 = tpu.memref_squeeze %dma_start3A_232 : memref<1x128xi32, #tpu.memory_space<vmem>> -> memref<128xi32, #tpu.memory_space<vmem>>
          %dma_start3A_234 = arith.constant 0 : i32
          %dma_start3A_235 = tpu.memref_slice %arg3[%add3A, %add3A_192, %dma_start3A_234] : memref<32x128x128xi32, #tpu.memory_space<hbm>> -> memref<1x1x128xi32, #tpu.memory_space<hbm>>
          %dma_start3A_236 = tpu.memref_squeeze %dma_start3A_235 : memref<1x1x128xi32, #tpu.memory_space<hbm>> -> memref<128xi32, #tpu.memory_space<hbm>>
          tpu.enqueue_dma source(%dma_start3A_236 : memref<128xi32, #tpu.memory_space<hbm>>) target(%dma_start3A_233 : memref<128xi32, #tpu.memory_space<vmem>>) target_semaphore(%run_scoped3A_224 : memref<!tpu.dma_semaphore, #tpu.memory_space<semaphore_mem>>)
          %dma_wait3A_237 = arith.constant 0 : i32
          %dma_wait3A_238 = tpu.memref_slice %arg8[%run_scoped3A_193, %dma_wait3A_237] : memref<2x128xi32, #tpu.memory_space<vmem>> -> memref<1x128xi32, #tpu.memory_space<vmem>>
          %dma_wait3A_239 = tpu.memref_squeeze %dma_wait3A_238 : memref<1x128xi32, #tpu.memory_space<vmem>> -> memref<128xi32, #tpu.memory_space<vmem>>
          %dma_wait3A_240 = arith.constant 0 : i32
          %dma_wait3A_241 = tpu.memref_slice %arg3[%add3A, %add3A_192, %dma_wait3A_240] : memref<32x128x128xi32, #tpu.memory_space<hbm>> -> memref<1x1x128xi32, #tpu.memory_space<hbm>>
          %dma_wait3A_242 = tpu.memref_squeeze %dma_wait3A_241 : memref<1x1x128xi32, #tpu.memory_space<hbm>> -> memref<128xi32, #tpu.memory_space<hbm>>
          %dma_wait3A_243 = arith.constant 0 : i32
          %dma_wait3A_244 = tpu.memref_slice %arg8[%run_scoped3A_193, %dma_wait3A_243] : memref<2x128xi32, #tpu.memory_space<vmem>> -> memref<1x128xi32, #tpu.memory_space<vmem>>
          %dma_wait3A_245 = tpu.memref_squeeze %dma_wait3A_244 : memref<1x128xi32, #tpu.memory_space<vmem>> -> memref<128xi32, #tpu.memory_space<vmem>>
          %dma_wait3A_246 = arith.constant 0 : i32
          %dma_wait3A_247 = tpu.memref_slice %arg3[%add3A, %add3A_192, %dma_wait3A_246] : memref<32x128x128xi32, #tpu.memory_space<hbm>> -> memref<1x1x128xi32, #tpu.memory_space<hbm>>
          %dma_wait3A_248 = tpu.memref_squeeze %dma_wait3A_247 : memref<1x1x128xi32, #tpu.memory_space<hbm>> -> memref<128xi32, #tpu.memory_space<hbm>>
          tpu.wait_dma2 semaphore(%run_scoped3A_224 : memref<!tpu.dma_semaphore, #tpu.memory_space<semaphore_mem>>) src(%dma_wait3A_248 : memref<128xi32, #tpu.memory_space<hbm>>) dst(%dma_wait3A_245 : memref<128xi32, #tpu.memory_space<vmem>>)
          tpu.yield
        }) : () -> ()
        %dma_start3A_194 = arith.constant 1 : i32
        %dma_start3A_195 = arith.constant 1 : i32
        %dma_start3A_196 = arith.constant 1 : i32
        %dma_start3A_197 = arith.constant 0 : i32
        %dma_start3A_198 = arith.constant 0 : i32
        %dma_start3A_199 = tpu.memref_slice %arg9[%dma_start3A_195, %dma_start3A_197, %dma_start3A_198] : memref<2x200x128xf32, #tpu.memory_space<vmem>> -> memref<1x128x128xf32, #tpu.memory_space<vmem>>
        %dma_start3A_200 = tpu.memref_squeeze %dma_start3A_199 : memref<1x128x128xf32, #tpu.memory_space<vmem>> -> memref<128x128xf32, #tpu.memory_space<vmem>>
        %dma_start3A_201 = arith.constant 0 : i32
        %dma_start3A_202 = tpu.memref_slice %arg7[%dma_start3A_194, %dma_start3A_201] : memref<2x128xi32, #tpu.memory_space<vmem>> -> memref<1x128xi32, #tpu.memory_space<vmem>>
        %dma_start3A_203 = tpu.memref_squeeze %dma_start3A_202 : memref<1x128xi32, #tpu.memory_space<vmem>> -> memref<128xi32, #tpu.memory_space<vmem>>
        %dma_start3A_204 = arith.constant 0 : i32
        %dma_start3A_205 = arith.constant 0 : i32
        %dma_start3A_206 = tpu.memref_slice %arg4[%dma_start3A_204, %dma_start3A_205] : memref<1000000x128xf32, #tpu.memory_space<hbm>> -> memref<1000000x128xf32, #tpu.memory_space<hbm>>
        %dma_start3A_207 = tpu.memref_slice %arg12[%dma_start3A_196] : memref<2x!tpu.dma_semaphore, #tpu.memory_space<semaphore_mem>> -> memref<1x!tpu.dma_semaphore, #tpu.memory_space<semaphore_mem>>
        %dma_start3A_208 = tpu.memref_squeeze %dma_start3A_207 : memref<1x!tpu.dma_semaphore, #tpu.memory_space<semaphore_mem>> -> memref<!tpu.dma_semaphore, #tpu.memory_space<semaphore_mem>>
        tpu.enqueue_indirect_dma source(%dma_start3A_206 : memref<1000000x128xf32, #tpu.memory_space<hbm>>) target(%dma_start3A_200 : memref<128x128xf32, #tpu.memory_space<vmem>>) offsets(%dma_start3A_203 : memref<128xi32, #tpu.memory_space<vmem>>) semaphore(%dma_start3A_208 : memref<!tpu.dma_semaphore, #tpu.memory_space<semaphore_mem>>)
        %dma_start3A_209 = arith.constant 1 : i32
        %dma_start3A_210 = arith.constant 1 : i32
        %dma_start3A_211 = arith.constant 1 : i32
        %dma_start3A_212 = arith.constant 72 : i32
        %dma_start3A_213 = arith.constant 0 : i32
        %dma_start3A_214 = tpu.memref_slice %arg9[%dma_start3A_210, %dma_start3A_212, %dma_start3A_213] : memref<2x200x128xf32, #tpu.memory_space<vmem>> -> memref<1x128x128xf32, #tpu.memory_space<vmem>>
        %dma_start3A_215 = tpu.memref_squeeze %dma_start3A_214 : memref<1x128x128xf32, #tpu.memory_space<vmem>> -> memref<128x128xf32, #tpu.memory_space<vmem>>
        %dma_start3A_216 = arith.constant 0 : i32
        %dma_start3A_217 = tpu.memref_slice %arg8[%dma_start3A_209, %dma_start3A_216] : memref<2x128xi32, #tpu.memory_space<vmem>> -> memref<1x128xi32, #tpu.memory_space<vmem>>
        %dma_start3A_218 = tpu.memref_squeeze %dma_start3A_217 : memref<1x128xi32, #tpu.memory_space<vmem>> -> memref<128xi32, #tpu.memory_space<vmem>>
        %dma_start3A_219 = arith.constant 0 : i32
        %dma_start3A_220 = arith.constant 0 : i32
        %dma_start3A_221 = tpu.memref_slice %arg4[%dma_start3A_219, %dma_start3A_220] : memref<1000000x128xf32, #tpu.memory_space<hbm>> -> memref<1000000x128xf32, #tpu.memory_space<hbm>>
        %dma_start3A_222 = tpu.memref_slice %arg12[%dma_start3A_211] : memref<2x!tpu.dma_semaphore, #tpu.memory_space<semaphore_mem>> -> memref<1x!tpu.dma_semaphore, #tpu.memory_space<semaphore_mem>>
        %dma_start3A_223 = tpu.memref_squeeze %dma_start3A_222 : memref<1x!tpu.dma_semaphore, #tpu.memory_space<semaphore_mem>> -> memref<!tpu.dma_semaphore, #tpu.memory_space<semaphore_mem>>
        tpu.enqueue_indirect_dma source(%dma_start3A_221 : memref<1000000x128xf32, #tpu.memory_space<hbm>>) target(%dma_start3A_215 : memref<128x128xf32, #tpu.memory_space<vmem>>) offsets(%dma_start3A_218 : memref<128xi32, #tpu.memory_space<vmem>>) semaphore(%dma_start3A_223 : memref<!tpu.dma_semaphore, #tpu.memory_space<semaphore_mem>>)
      } else {
      }
      %dma_wait3A_70 = arith.constant 0 : i32
      %dma_wait3A_71 = arith.constant 0 : i32
      %dma_wait3A_72 = arith.constant 0 : i32
      %dma_wait3A_73 = arith.constant 0 : i32
      %dma_wait3A_74 = arith.constant 0 : i32
      %dma_wait3A_75 = tpu.memref_slice %arg9[%dma_wait3A_71, %dma_wait3A_73, %dma_wait3A_74] : memref<2x200x128xf32, #tpu.memory_space<vmem>> -> memref<1x128x128xf32, #tpu.memory_space<vmem>>
      %dma_wait3A_76 = tpu.memref_squeeze %dma_wait3A_75 : memref<1x128x128xf32, #tpu.memory_space<vmem>> -> memref<128x128xf32, #tpu.memory_space<vmem>>
      %dma_wait3A_77 = arith.constant 0 : i32
      %dma_wait3A_78 = tpu.memref_slice %arg7[%dma_wait3A_70, %dma_wait3A_77] : memref<2x128xi32, #tpu.memory_space<vmem>> -> memref<1x128xi32, #tpu.memory_space<vmem>>
      %dma_wait3A_79 = tpu.memref_squeeze %dma_wait3A_78 : memref<1x128xi32, #tpu.memory_space<vmem>> -> memref<128xi32, #tpu.memory_space<vmem>>
      %dma_wait3A_80 = arith.constant 0 : i32
      %dma_wait3A_81 = arith.constant 0 : i32
      %dma_wait3A_82 = tpu.memref_slice %arg4[%dma_wait3A_80, %dma_wait3A_81] : memref<1000000x128xf32, #tpu.memory_space<hbm>> -> memref<1000000x128xf32, #tpu.memory_space<hbm>>
      %dma_wait3A_83 = tpu.memref_slice %arg12[%dma_wait3A_72] : memref<2x!tpu.dma_semaphore, #tpu.memory_space<semaphore_mem>> -> memref<1x!tpu.dma_semaphore, #tpu.memory_space<semaphore_mem>>
      %dma_wait3A_84 = tpu.memref_squeeze %dma_wait3A_83 : memref<1x!tpu.dma_semaphore, #tpu.memory_space<semaphore_mem>> -> memref<!tpu.dma_semaphore, #tpu.memory_space<semaphore_mem>>
      tpu.wait_indirect_dma semaphore(%dma_wait3A_84 : memref<!tpu.dma_semaphore, #tpu.memory_space<semaphore_mem>>) src(%dma_wait3A_82 : memref<1000000x128xf32, #tpu.memory_space<hbm>>) dst(%dma_wait3A_76 : memref<128x128xf32, #tpu.memory_space<vmem>>)
      %dma_wait3A_85 = arith.constant 0 : i32
      %dma_wait3A_86 = arith.constant 0 : i32
      %dma_wait3A_87 = arith.constant 0 : i32
      %dma_wait3A_88 = arith.constant 72 : i32
      %dma_wait3A_89 = arith.constant 0 : i32
      %dma_wait3A_90 = tpu.memref_slice %arg9[%dma_wait3A_86, %dma_wait3A_88, %dma_wait3A_89] : memref<2x200x128xf32, #tpu.memory_space<vmem>> -> memref<1x128x128xf32, #tpu.memory_space<vmem>>
      %dma_wait3A_91 = tpu.memref_squeeze %dma_wait3A_90 : memref<1x128x128xf32, #tpu.memory_space<vmem>> -> memref<128x128xf32, #tpu.memory_space<vmem>>
      %dma_wait3A_92 = arith.constant 0 : i32
      %dma_wait3A_93 = tpu.memref_slice %arg8[%dma_wait3A_85, %dma_wait3A_92] : memref<2x128xi32, #tpu.memory_space<vmem>> -> memref<1x128xi32, #tpu.memory_space<vmem>>
      %dma_wait3A_94 = tpu.memref_squeeze %dma_wait3A_93 : memref<1x128xi32, #tpu.memory_space<vmem>> -> memref<128xi32, #tpu.memory_space<vmem>>
      %dma_wait3A_95 = arith.constant 0 : i32
      %dma_wait3A_96 = arith.constant 0 : i32
      %dma_wait3A_97 = tpu.memref_slice %arg4[%dma_wait3A_95, %dma_wait3A_96] : memref<1000000x128xf32, #tpu.memory_space<hbm>> -> memref<1000000x128xf32, #tpu.memory_space<hbm>>
      %dma_wait3A_98 = tpu.memref_slice %arg12[%dma_wait3A_87] : memref<2x!tpu.dma_semaphore, #tpu.memory_space<semaphore_mem>> -> memref<1x!tpu.dma_semaphore, #tpu.memory_space<semaphore_mem>>
      %dma_wait3A_99 = tpu.memref_squeeze %dma_wait3A_98 : memref<1x!tpu.dma_semaphore, #tpu.memory_space<semaphore_mem>> -> memref<!tpu.dma_semaphore, #tpu.memory_space<semaphore_mem>>
      tpu.wait_indirect_dma semaphore(%dma_wait3A_99 : memref<!tpu.dma_semaphore, #tpu.memory_space<semaphore_mem>>) src(%dma_wait3A_97 : memref<1000000x128xf32, #tpu.memory_space<hbm>>) dst(%dma_wait3A_91 : memref<128x128xf32, #tpu.memory_space<vmem>>)
      %scan3A_100 = arith.constant 0 : i32
      %scan3A_101 = arith.constant 100 : i32
      %scan3A_102 = arith.addi %scan3A_100, %scan3A_101 : i32
      %scan3A_103 = arith.constant 1 : i32
      scf.for %scan3A_184 = %scan3A_100 to %scan3A_102 step %scan3A_103  : i32 {
        %mul3A_185 = arith.constant 1 : i32
        %mul3A_186 = arith.muli %scan3A_184, %mul3A_185 : i32
        %add3A_187 = arith.constant 0 : i32
        %add3A_188 = arith.addi %add3A_187, %mul3A_186 : i32
        %mul3A_189 = arith.constant 2 : i32
        %mul3A_190 = arith.muli %mul3A_189, %add3A_188 : i32
        %add3A_191 = arith.constant 0 : i32
        %add3A_192 = arith.addi %mul3A_190, %add3A_191 : i32
        %get3A = arith.constant 0 : i32
        %get3A_193 = arith.index_cast %get3A : i32 to index
        %get3A_194 = arith.index_cast %add3A_192 : i32 to index
        %get3A_195 = arith.constant 0 : index
        %get3A_196 = tpu.vector_load %arg9[%get3A_193, %get3A_194, %get3A_195] {strides = array<i32>} : memref<2x200x128xf32, #tpu.memory_space<vmem>>, vector<1x1x16xf32>,
        %get3A_197 = vector.shape_cast %get3A_196 : vector<1x1x16xf32> to vector<16xf32>
        %get3A_198 = arith.index_cast %add3A_188 : i32 to index
        %get3A_199 = arith.constant 0 : index
        %get3A_200 = tpu.vector_load %arg11[%get3A_198, %get3A_199] {strides = array<i32>} : memref<100x128xf32, #tpu.memory_space<vmem>>, vector<1x16xf32>,
        %get3A_201 = vector.shape_cast %get3A_200 : vector<1x16xf32> to vector<16xf32>
        %add3A_202 = arith.addf %get3A_197, %get3A_201 : vector<16xf32>
        %swap3A = arith.constant 0 : i32
        %swap3A_203 = arith.index_cast %swap3A : i32 to index
        %swap3A_204 = arith.index_cast %add3A_192 : i32 to index
        %swap3A_205 = arith.constant 0 : index
        %swap3A_206 = tpu.vector_load %arg10[%swap3A_203, %swap3A_204, %swap3A_205] {strides = array<i32>} : memref<2x200x64xf32, #tpu.memory_space<vmem>>, vector<1x1x16xf32>,
        %swap3A_207 = vector.shape_cast %swap3A_206 : vector<1x1x16xf32> to vector<16xf32>
        %swap3A_208 = vector.shape_cast %add3A_202 : vector<16xf32> to vector<1x1x16xf32>
        tpu.vector_store %arg10[%swap3A_203, %swap3A_204, %swap3A_205], %swap3A_208 {strides = array<i32>} : memref<2x200x64xf32, #tpu.memory_space<vmem>>, vector<1x1x16xf32>,
        %get3A_209 = arith.constant 0 : i32
        %get3A_210 = arith.index_cast %get3A_209 : i32 to index
        %get3A_211 = arith.index_cast %add3A_192 : i32 to index
        %get3A_212 = arith.constant 16 : index
        %get3A_213 = tpu.vector_load %arg9[%get3A_210, %get3A_211, %get3A_212] {strides = array<i32>} : memref<2x200x128xf32, #tpu.memory_space<vmem>>, vector<1x1x16xf32>,
        %get3A_214 = vector.shape_cast %get3A_213 : vector<1x1x16xf32> to vector<16xf32>
        %get3A_215 = arith.index_cast %add3A_188 : i32 to index
        %get3A_216 = arith.constant 16 : index
        %get3A_217 = tpu.vector_load %arg11[%get3A_215, %get3A_216] {strides = array<i32>} : memref<100x128xf32, #tpu.memory_space<vmem>>, vector<1x16xf32>,
        %get3A_218 = vector.shape_cast %get3A_217 : vector<1x16xf32> to vector<16xf32>
        %add3A_219 = arith.addf %get3A_214, %get3A_218 : vector<16xf32>
        %swap3A_220 = arith.constant 0 : i32
        %swap3A_221 = arith.index_cast %swap3A_220 : i32 to index
        %swap3A_222 = arith.index_cast %add3A_192 : i32 to index
        %swap3A_223 = arith.constant 16 : index
        %swap3A_224 = tpu.vector_load %arg10[%swap3A_221, %swap3A_222, %swap3A_223] {strides = array<i32>} : memref<2x200x64xf32, #tpu.memory_space<vmem>>, vector<1x1x16xf32>,
        %swap3A_225 = vector.shape_cast %swap3A_224 : vector<1x1x16xf32> to vector<16xf32>
        %swap3A_226 = vector.shape_cast %add3A_219 : vector<16xf32> to vector<1x1x16xf32>
        tpu.vector_store %arg10[%swap3A_221, %swap3A_222, %swap3A_223], %swap3A_226 {strides = array<i32>} : memref<2x200x64xf32, #tpu.memory_space<vmem>>, vector<1x1x16xf32>,
        %get3A_227 = arith.constant 0 : i32
        %get3A_228 = arith.index_cast %get3A_227 : i32 to index
        %get3A_229 = arith.index_cast %add3A_192 : i32 to index
        %get3A_230 = arith.constant 32 : index
        %get3A_231 = tpu.vector_load %arg9[%get3A_228, %get3A_229, %get3A_230] {strides = array<i32>} : memref<2x200x128xf32, #tpu.memory_space<vmem>>, vector<1x1x16xf32>,
        %get3A_232 = vector.shape_cast %get3A_231 : vector<1x1x16xf32> to vector<16xf32>
        %get3A_233 = arith.index_cast %add3A_188 : i32 to index
        %get3A_234 = arith.constant 32 : index
        %get3A_235 = tpu.vector_load %arg11[%get3A_233, %get3A_234] {strides = array<i32>} : memref<100x128xf32, #tpu.memory_space<vmem>>, vector<1x16xf32>,
        %get3A_236 = vector.shape_cast %get3A_235 : vector<1x16xf32> to vector<16xf32>
        %add3A_237 = arith.addf %get3A_232, %get3A_236 : vector<16xf32>
        %swap3A_238 = arith.constant 0 : i32
        %swap3A_239 = arith.index_cast %swap3A_238 : i32 to index
        %swap3A_240 = arith.index_cast %add3A_192 : i32 to index
        %swap3A_241 = arith.constant 32 : index
        %swap3A_242 = tpu.vector_load %arg10[%swap3A_239, %swap3A_240, %swap3A_241] {strides = array<i32>} : memref<2x200x64xf32, #tpu.memory_space<vmem>>, vector<1x1x16xf32>,
        %swap3A_243 = vector.shape_cast %swap3A_242 : vector<1x1x16xf32> to vector<16xf32>
        %swap3A_244 = vector.shape_cast %add3A_237 : vector<16xf32> to vector<1x1x16xf32>
        tpu.vector_store %arg10[%swap3A_239, %swap3A_240, %swap3A_241], %swap3A_244 {strides = array<i32>} : memref<2x200x64xf32, #tpu.memory_space<vmem>>, vector<1x1x16xf32>,
        %get3A_245 = arith.constant 0 : i32
        %get3A_246 = arith.index_cast %get3A_245 : i32 to index
        %get3A_247 = arith.index_cast %add3A_192 : i32 to index
        %get3A_248 = arith.constant 48 : index
        %get3A_249 = tpu.vector_load %arg9[%get3A_246, %get3A_247, %get3A_248] {strides = array<i32>} : memref<2x200x128xf32, #tpu.memory_space<vmem>>, vector<1x1x16xf32>,
        %get3A_250 = vector.shape_cast %get3A_249 : vector<1x1x16xf32> to vector<16xf32>
        %get3A_251 = arith.index_cast %add3A_188 : i32 to index
        %get3A_252 = arith.constant 48 : index
        %get3A_253 = tpu.vector_load %arg11[%get3A_251, %get3A_252] {strides = array<i32>} : memref<100x128xf32, #tpu.memory_space<vmem>>, vector<1x16xf32>,
        %get3A_254 = vector.shape_cast %get3A_253 : vector<1x16xf32> to vector<16xf32>
        %add3A_255 = arith.addf %get3A_250, %get3A_254 : vector<16xf32>
        %swap3A_256 = arith.constant 0 : i32
        %swap3A_257 = arith.index_cast %swap3A_256 : i32 to index
        %swap3A_258 = arith.index_cast %add3A_192 : i32 to index
        %swap3A_259 = arith.constant 48 : index
        %swap3A_260 = tpu.vector_load %arg10[%swap3A_257, %swap3A_258, %swap3A_259] {strides = array<i32>} : memref<2x200x64xf32, #tpu.memory_space<vmem>>, vector<1x1x16xf32>,
        %swap3A_261 = vector.shape_cast %swap3A_260 : vector<1x1x16xf32> to vector<16xf32>
        %swap3A_262 = vector.shape_cast %add3A_255 : vector<16xf32> to vector<1x1x16xf32>
        tpu.vector_store %arg10[%swap3A_257, %swap3A_258, %swap3A_259], %swap3A_262 {strides = array<i32>} : memref<2x200x64xf32, #tpu.memory_space<vmem>>, vector<1x1x16xf32>,
        %mul3A_263 = arith.constant 2 : i32
        %mul3A_264 = arith.muli %mul3A_263, %add3A_188 : i32
        %add3A_265 = arith.constant 1 : i32
        %add3A_266 = arith.addi %mul3A_264, %add3A_265 : i32
        %get3A_267 = arith.constant 0 : i32
        %get3A_268 = arith.index_cast %get3A_267 : i32 to index
        %get3A_269 = arith.index_cast %add3A_266 : i32 to index
        %get3A_270 = arith.constant 0 : index
        %get3A_271 = tpu.vector_load %arg9[%get3A_268, %get3A_269, %get3A_270] {strides = array<i32>} : memref<2x200x128xf32, #tpu.memory_space<vmem>>, vector<1x1x16xf32>,
        %get3A_272 = vector.shape_cast %get3A_271 : vector<1x1x16xf32> to vector<16xf32>
        %get3A_273 = arith.index_cast %add3A_188 : i32 to index
        %get3A_274 = arith.constant 64 : index
        %get3A_275 = tpu.vector_load %arg11[%get3A_273, %get3A_274] {strides = array<i32>} : memref<100x128xf32, #tpu.memory_space<vmem>>, vector<1x16xf32>,
        %get3A_276 = vector.shape_cast %get3A_275 : vector<1x16xf32> to vector<16xf32>
        %add3A_277 = arith.addf %get3A_272, %get3A_276 : vector<16xf32>
        %swap3A_278 = arith.constant 0 : i32
        %swap3A_279 = arith.index_cast %swap3A_278 : i32 to index
        %swap3A_280 = arith.index_cast %add3A_266 : i32 to index
        %swap3A_281 = arith.constant 0 : index
        %swap3A_282 = tpu.vector_load %arg10[%swap3A_279, %swap3A_280, %swap3A_281] {strides = array<i32>} : memref<2x200x64xf32, #tpu.memory_space<vmem>>, vector<1x1x16xf32>,
        %swap3A_283 = vector.shape_cast %swap3A_282 : vector<1x1x16xf32> to vector<16xf32>
        %swap3A_284 = vector.shape_cast %add3A_277 : vector<16xf32> to vector<1x1x16xf32>
        tpu.vector_store %arg10[%swap3A_279, %swap3A_280, %swap3A_281], %swap3A_284 {strides = array<i32>} : memref<2x200x64xf32, #tpu.memory_space<vmem>>, vector<1x1x16xf32>,
        %get3A_285 = arith.constant 0 : i32
        %get3A_286 = arith.index_cast %get3A_285 : i32 to index
        %get3A_287 = arith.index_cast %add3A_266 : i32 to index
        %get3A_288 = arith.constant 16 : index
        %get3A_289 = tpu.vector_load %arg9[%get3A_286, %get3A_287, %get3A_288] {strides = array<i32>} : memref<2x200x128xf32, #tpu.memory_space<vmem>>, vector<1x1x16xf32>,
        %get3A_290 = vector.shape_cast %get3A_289 : vector<1x1x16xf32> to vector<16xf32>
        %get3A_291 = arith.index_cast %add3A_188 : i32 to index
        %get3A_292 = arith.constant 80 : index
        %get3A_293 = tpu.vector_load %arg11[%get3A_291, %get3A_292] {strides = array<i32>} : memref<100x128xf32, #tpu.memory_space<vmem>>, vector<1x16xf32>,
        %get3A_294 = vector.shape_cast %get3A_293 : vector<1x16xf32> to vector<16xf32>
        %add3A_295 = arith.addf %get3A_290, %get3A_294 : vector<16xf32>
        %swap3A_296 = arith.constant 0 : i32
        %swap3A_297 = arith.index_cast %swap3A_296 : i32 to index
        %swap3A_298 = arith.index_cast %add3A_266 : i32 to index
        %swap3A_299 = arith.constant 16 : index
        %swap3A_300 = tpu.vector_load %arg10[%swap3A_297, %swap3A_298, %swap3A_299] {strides = array<i32>} : memref<2x200x64xf32, #tpu.memory_space<vmem>>, vector<1x1x16xf32>,
        %swap3A_301 = vector.shape_cast %swap3A_300 : vector<1x1x16xf32> to vector<16xf32>
        %swap3A_302 = vector.shape_cast %add3A_295 : vector<16xf32> to vector<1x1x16xf32>
        tpu.vector_store %arg10[%swap3A_297, %swap3A_298, %swap3A_299], %swap3A_302 {strides = array<i32>} : memref<2x200x64xf32, #tpu.memory_space<vmem>>, vector<1x1x16xf32>,
        %get3A_303 = arith.constant 0 : i32
        %get3A_304 = arith.index_cast %get3A_303 : i32 to index
        %get3A_305 = arith.index_cast %add3A_266 : i32 to index
        %get3A_306 = arith.constant 32 : index
        %get3A_307 = tpu.vector_load %arg9[%get3A_304, %get3A_305, %get3A_306] {strides = array<i32>} : memref<2x200x128xf32, #tpu.memory_space<vmem>>, vector<1x1x16xf32>,
        %get3A_308 = vector.shape_cast %get3A_307 : vector<1x1x16xf32> to vector<16xf32>
        %get3A_309 = arith.index_cast %add3A_188 : i32 to index
        %get3A_310 = arith.constant 96 : index
        %get3A_311 = tpu.vector_load %arg11[%get3A_309, %get3A_310] {strides = array<i32>} : memref<100x128xf32, #tpu.memory_space<vmem>>, vector<1x16xf32>,
        %get3A_312 = vector.shape_cast %get3A_311 : vector<1x16xf32> to vector<16xf32>
        %add3A_313 = arith.addf %get3A_308, %get3A_312 : vector<16xf32>
        %swap3A_314 = arith.constant 0 : i32
        %swap3A_315 = arith.index_cast %swap3A_314 : i32 to index
        %swap3A_316 = arith.index_cast %add3A_266 : i32 to index
        %swap3A_317 = arith.constant 32 : index
        %swap3A_318 = tpu.vector_load %arg10[%swap3A_315, %swap3A_316, %swap3A_317] {strides = array<i32>} : memref<2x200x64xf32, #tpu.memory_space<vmem>>, vector<1x1x16xf32>,
        %swap3A_319 = vector.shape_cast %swap3A_318 : vector<1x1x16xf32> to vector<16xf32>
        %swap3A_320 = vector.shape_cast %add3A_313 : vector<16xf32> to vector<1x1x16xf32>
        tpu.vector_store %arg10[%swap3A_315, %swap3A_316, %swap3A_317], %swap3A_320 {strides = array<i32>} : memref<2x200x64xf32, #tpu.memory_space<vmem>>, vector<1x1x16xf32>,
        %get3A_321 = arith.constant 0 : i32
        %get3A_322 = arith.index_cast %get3A_321 : i32 to index
        %get3A_323 = arith.index_cast %add3A_266 : i32 to index
        %get3A_324 = arith.constant 48 : index
        %get3A_325 = tpu.vector_load %arg9[%get3A_322, %get3A_323, %get3A_324] {strides = array<i32>} : memref<2x200x128xf32, #tpu.memory_space<vmem>>, vector<1x1x16xf32>,
        %get3A_326 = vector.shape_cast %get3A_325 : vector<1x1x16xf32> to vector<16xf32>
        %get3A_327 = arith.index_cast %add3A_188 : i32 to index
        %get3A_328 = arith.constant 112 : index
        %get3A_329 = tpu.vector_load %arg11[%get3A_327, %get3A_328] {strides = array<i32>} : memref<100x128xf32, #tpu.memory_space<vmem>>, vector<1x16xf32>,
        %get3A_330 = vector.shape_cast %get3A_329 : vector<1x16xf32> to vector<16xf32>
        %add3A_331 = arith.addf %get3A_326, %get3A_330 : vector<16xf32>
        %swap3A_332 = arith.constant 0 : i32
        %swap3A_333 = arith.index_cast %swap3A_332 : i32 to index
        %swap3A_334 = arith.index_cast %add3A_266 : i32 to index
        %swap3A_335 = arith.constant 48 : index
        %swap3A_336 = tpu.vector_load %arg10[%swap3A_333, %swap3A_334, %swap3A_335] {strides = array<i32>} : memref<2x200x64xf32, #tpu.memory_space<vmem>>, vector<1x1x16xf32>,
        %swap3A_337 = vector.shape_cast %swap3A_336 : vector<1x1x16xf32> to vector<16xf32>
        %swap3A_338 = vector.shape_cast %add3A_331 : vector<16xf32> to vector<1x1x16xf32>
        tpu.vector_store %arg10[%swap3A_333, %swap3A_334, %swap3A_335], %swap3A_338 {strides = array<i32>} : memref<2x200x64xf32, #tpu.memory_space<vmem>>, vector<1x1x16xf32>,
      }
      %scan3A_104 = arith.constant 100 : i32
      %dma_start3A_105 = arith.constant 0 : i32
      %dma_start3A_106 = arith.constant 0 : i32
      %dma_start3A_107 = arith.constant 0 : i32
      %dma_start3A_108 = arith.constant 0 : i32
      %dma_start3A_109 = tpu.memref_slice %arg10[%dma_start3A_105, %dma_start3A_107, %dma_start3A_108] : memref<2x200x64xf32, #tpu.memory_space<vmem>> -> memref<1x200x64xf32, #tpu.memory_space<vmem>>
      %dma_start3A_110 = tpu.memref_squeeze %dma_start3A_109 : memref<1x200x64xf32, #tpu.memory_space<vmem>> -> memref<200x64xf32, #tpu.memory_space<vmem>>
      %dma_start3A_111 = arith.constant 0 : i32
      %dma_start3A_112 = tpu.memref_slice %arg6[%add3A_65, %dma_start3A_111] : memref<819200x64xf32, #tpu.memory_space<hbm>> -> memref<200x64xf32, #tpu.memory_space<hbm>>
      %dma_start3A_113 = tpu.memref_slice %arg13[%dma_start3A_106] : memref<2x!tpu.dma_semaphore, #tpu.memory_space<semaphore_mem>> -> memref<1x!tpu.dma_semaphore, #tpu.memory_space<semaphore_mem>>
      %dma_start3A_114 = tpu.memref_squeeze %dma_start3A_113 : memref<1x!tpu.dma_semaphore, #tpu.memory_space<semaphore_mem>> -> memref<!tpu.dma_semaphore, #tpu.memory_space<semaphore_mem>>
      %dma_start3A_115 = arith.constant 0 : i32
      %dma_start3A_116 = tpu.memref_slice %arg6[%add3A_65, %dma_start3A_115] : memref<819200x64xf32, #tpu.memory_space<hbm>> -> memref<200x64xf32, #tpu.memory_space<hbm>>
      %dma_start3A_117 = arith.constant 0 : i32
      %dma_start3A_118 = arith.constant 0 : i32
      %dma_start3A_119 = tpu.memref_slice %arg10[%dma_start3A_105, %dma_start3A_117, %dma_start3A_118] : memref<2x200x64xf32, #tpu.memory_space<vmem>> -> memref<1x200x64xf32, #tpu.memory_space<vmem>>
      %dma_start3A_120 = tpu.memref_squeeze %dma_start3A_119 : memref<1x200x64xf32, #tpu.memory_space<vmem>> -> memref<200x64xf32, #tpu.memory_space<vmem>>
      tpu.enqueue_dma source(%dma_start3A_120 : memref<200x64xf32, #tpu.memory_space<vmem>>) target(%dma_start3A_116 : memref<200x64xf32, #tpu.memory_space<hbm>>) target_semaphore(%dma_start3A_114 : memref<!tpu.dma_semaphore, #tpu.memory_space<semaphore_mem>>)
      %add3A_121 = arith.constant 1 : i32
      %add3A_122 = arith.addi %add3A_60, %add3A_121 : i32
      %mul3A_123 = arith.constant 200 : i32
      %mul3A_124 = arith.muli %add3A_122, %mul3A_123 : i32
      %add3A_125 = arith.addi %mul3A_2, %mul3A_124 : i32
      %add3A_126 = arith.constant 1 : i32
      %add3A_127 = arith.addi %add3A_122, %add3A_126 : i32
      %lt3A_128 = arith.constant 128 : i32
      %lt3A_129 = arith.cmpi slt, %add3A_127, %lt3A_128 : i32
      %convert_element_type3A_130 = arith.extui %lt3A_129 : i1 to i32
      %cond3A_131 = arith.constant 0 : i32
      %cond3A_132 = arith.cmpi ne, %convert_element_type3A_130, %cond3A_131 : i32
      scf.if %cond3A_132 {
        %ge3A = arith.constant 1 : i32
        %ge3A_184 = arith.cmpi sge, %add3A_122, %ge3A : i32
        %convert_element_type3A_185 = arith.extui %ge3A_184 : i1 to i32
        %cond3A_186 = arith.constant 0 : i32
        %cond3A_187 = arith.cmpi ne, %convert_element_type3A_185, %cond3A_186 : i32
        scf.if %cond3A_187 {
          %sub3A = arith.constant 200 : i32
          %sub3A_224 = arith.subi %add3A_125, %sub3A : i32
          %dma_wait3A_225 = arith.constant 0 : i32
          %dma_wait3A_226 = arith.constant 0 : i32
          %dma_wait3A_227 = arith.constant 0 : i32
          %dma_wait3A_228 = arith.constant 0 : i32
          %dma_wait3A_229 = tpu.memref_slice %arg10[%dma_wait3A_225, %dma_wait3A_227, %dma_wait3A_228] : memref<2x200x64xf32, #tpu.memory_space<vmem>> -> memref<1x200x64xf32, #tpu.memory_space<vmem>>
          %dma_wait3A_230 = tpu.memref_squeeze %dma_wait3A_229 : memref<1x200x64xf32, #tpu.memory_space<vmem>> -> memref<200x64xf32, #tpu.memory_space<vmem>>
          %dma_wait3A_231 = arith.constant 0 : i32
          %dma_wait3A_232 = tpu.memref_slice %arg6[%sub3A_224, %dma_wait3A_231] : memref<819200x64xf32, #tpu.memory_space<hbm>> -> memref<200x64xf32, #tpu.memory_space<hbm>>
          %dma_wait3A_233 = tpu.memref_slice %arg13[%dma_wait3A_226] : memref<2x!tpu.dma_semaphore, #tpu.memory_space<semaphore_mem>> -> memref<1x!tpu.dma_semaphore, #tpu.memory_space<semaphore_mem>>
          %dma_wait3A_234 = tpu.memref_squeeze %dma_wait3A_233 : memref<1x!tpu.dma_semaphore, #tpu.memory_space<semaphore_mem>> -> memref<!tpu.dma_semaphore, #tpu.memory_space<semaphore_mem>>
          %dma_wait3A_235 = arith.constant 0 : i32
          %dma_wait3A_236 = tpu.memref_slice %arg6[%sub3A_224, %dma_wait3A_235] : memref<819200x64xf32, #tpu.memory_space<hbm>> -> memref<200x64xf32, #tpu.memory_space<hbm>>
          %dma_wait3A_237 = arith.constant 0 : i32
          %dma_wait3A_238 = arith.constant 0 : i32
          %dma_wait3A_239 = tpu.memref_slice %arg10[%dma_wait3A_225, %dma_wait3A_237, %dma_wait3A_238] : memref<2x200x64xf32, #tpu.memory_space<vmem>> -> memref<1x200x64xf32, #tpu.memory_space<vmem>>
          %dma_wait3A_240 = tpu.memref_squeeze %dma_wait3A_239 : memref<1x200x64xf32, #tpu.memory_space<vmem>> -> memref<200x64xf32, #tpu.memory_space<vmem>>
          tpu.wait_dma2 semaphore(%dma_wait3A_234 : memref<!tpu.dma_semaphore, #tpu.memory_space<semaphore_mem>>) src(%dma_wait3A_240 : memref<200x64xf32, #tpu.memory_space<vmem>>) dst(%dma_wait3A_236 : memref<200x64xf32, #tpu.memory_space<hbm>>)
        } else {
        }
        %add3A_188 = arith.constant 1 : i32
        %add3A_189 = arith.addi %add3A_122, %add3A_188 : i32
        %run_scoped3A_190 = arith.constant 0 : i32
        "tpu.region"() ({
          %run_scoped3A_224 = tpu.sem_alloc : memref<!tpu.dma_semaphore, #tpu.memory_space<semaphore_mem>>
          %dma_start3A_225 = arith.constant 0 : i32
          %dma_start3A_226 = tpu.memref_slice %arg7[%run_scoped3A_190, %dma_start3A_225] : memref<2x128xi32, #tpu.memory_space<vmem>> -> memref<1x128xi32, #tpu.memory_space<vmem>>
          %dma_start3A_227 = tpu.memref_squeeze %dma_start3A_226 : memref<1x128xi32, #tpu.memory_space<vmem>> -> memref<128xi32, #tpu.memory_space<vmem>>
          %dma_start3A_228 = arith.constant 0 : i32
          %dma_start3A_229 = tpu.memref_slice %arg2[%add3A, %add3A_189, %dma_start3A_228] : memref<32x128x128xi32, #tpu.memory_space<hbm>> -> memref<1x1x128xi32, #tpu.memory_space<hbm>>
          %dma_start3A_230 = tpu.memref_squeeze %dma_start3A_229 : memref<1x1x128xi32, #tpu.memory_space<hbm>> -> memref<128xi32, #tpu.memory_space<hbm>>
          %dma_start3A_231 = arith.constant 0 : i32
          %dma_start3A_232 = tpu.memref_slice %arg7[%run_scoped3A_190, %dma_start3A_231] : memref<2x128xi32, #tpu.memory_space<vmem>> -> memref<1x128xi32, #tpu.memory_space<vmem>>
          %dma_start3A_233 = tpu.memref_squeeze %dma_start3A_232 : memref<1x128xi32, #tpu.memory_space<vmem>> -> memref<128xi32, #tpu.memory_space<vmem>>
          %dma_start3A_234 = arith.constant 0 : i32
          %dma_start3A_235 = tpu.memref_slice %arg2[%add3A, %add3A_189, %dma_start3A_234] : memref<32x128x128xi32, #tpu.memory_space<hbm>> -> memref<1x1x128xi32, #tpu.memory_space<hbm>>
          %dma_start3A_236 = tpu.memref_squeeze %dma_start3A_235 : memref<1x1x128xi32, #tpu.memory_space<hbm>> -> memref<128xi32, #tpu.memory_space<hbm>>
          tpu.enqueue_dma source(%dma_start3A_236 : memref<128xi32, #tpu.memory_space<hbm>>) target(%dma_start3A_233 : memref<128xi32, #tpu.memory_space<vmem>>) target_semaphore(%run_scoped3A_224 : memref<!tpu.dma_semaphore, #tpu.memory_space<semaphore_mem>>)
          %dma_wait3A_237 = arith.constant 0 : i32
          %dma_wait3A_238 = tpu.memref_slice %arg7[%run_scoped3A_190, %dma_wait3A_237] : memref<2x128xi32, #tpu.memory_space<vmem>> -> memref<1x128xi32, #tpu.memory_space<vmem>>
          %dma_wait3A_239 = tpu.memref_squeeze %dma_wait3A_238 : memref<1x128xi32, #tpu.memory_space<vmem>> -> memref<128xi32, #tpu.memory_space<vmem>>
          %dma_wait3A_240 = arith.constant 0 : i32
          %dma_wait3A_241 = tpu.memref_slice %arg2[%add3A, %add3A_189, %dma_wait3A_240] : memref<32x128x128xi32, #tpu.memory_space<hbm>> -> memref<1x1x128xi32, #tpu.memory_space<hbm>>
          %dma_wait3A_242 = tpu.memref_squeeze %dma_wait3A_241 : memref<1x1x128xi32, #tpu.memory_space<hbm>> -> memref<128xi32, #tpu.memory_space<hbm>>
          %dma_wait3A_243 = arith.constant 0 : i32
          %dma_wait3A_244 = tpu.memref_slice %arg7[%run_scoped3A_190, %dma_wait3A_243] : memref<2x128xi32, #tpu.memory_space<vmem>> -> memref<1x128xi32, #tpu.memory_space<vmem>>
          %dma_wait3A_245 = tpu.memref_squeeze %dma_wait3A_244 : memref<1x128xi32, #tpu.memory_space<vmem>> -> memref<128xi32, #tpu.memory_space<vmem>>
          %dma_wait3A_246 = arith.constant 0 : i32
          %dma_wait3A_247 = tpu.memref_slice %arg2[%add3A, %add3A_189, %dma_wait3A_246] : memref<32x128x128xi32, #tpu.memory_space<hbm>> -> memref<1x1x128xi32, #tpu.memory_space<hbm>>
          %dma_wait3A_248 = tpu.memref_squeeze %dma_wait3A_247 : memref<1x1x128xi32, #tpu.memory_space<hbm>> -> memref<128xi32, #tpu.memory_space<hbm>>
          tpu.wait_dma2 semaphore(%run_scoped3A_224 : memref<!tpu.dma_semaphore, #tpu.memory_space<semaphore_mem>>) src(%dma_wait3A_248 : memref<128xi32, #tpu.memory_space<hbm>>) dst(%dma_wait3A_245 : memref<128xi32, #tpu.memory_space<vmem>>)
          tpu.yield
        }) : () -> ()
        %add3A_191 = arith.constant 1 : i32
        %add3A_192 = arith.addi %add3A_122, %add3A_191 : i32
        %run_scoped3A_193 = arith.constant 0 : i32
        "tpu.region"() ({
          %run_scoped3A_224 = tpu.sem_alloc : memref<!tpu.dma_semaphore, #tpu.memory_space<semaphore_mem>>
          %dma_start3A_225 = arith.constant 0 : i32
          %dma_start3A_226 = tpu.memref_slice %arg8[%run_scoped3A_193, %dma_start3A_225] : memref<2x128xi32, #tpu.memory_space<vmem>> -> memref<1x128xi32, #tpu.memory_space<vmem>>
          %dma_start3A_227 = tpu.memref_squeeze %dma_start3A_226 : memref<1x128xi32, #tpu.memory_space<vmem>> -> memref<128xi32, #tpu.memory_space<vmem>>
          %dma_start3A_228 = arith.constant 0 : i32
          %dma_start3A_229 = tpu.memref_slice %arg3[%add3A, %add3A_192, %dma_start3A_228] : memref<32x128x128xi32, #tpu.memory_space<hbm>> -> memref<1x1x128xi32, #tpu.memory_space<hbm>>
          %dma_start3A_230 = tpu.memref_squeeze %dma_start3A_229 : memref<1x1x128xi32, #tpu.memory_space<hbm>> -> memref<128xi32, #tpu.memory_space<hbm>>
          %dma_start3A_231 = arith.constant 0 : i32
          %dma_start3A_232 = tpu.memref_slice %arg8[%run_scoped3A_193, %dma_start3A_231] : memref<2x128xi32, #tpu.memory_space<vmem>> -> memref<1x128xi32, #tpu.memory_space<vmem>>
          %dma_start3A_233 = tpu.memref_squeeze %dma_start3A_232 : memref<1x128xi32, #tpu.memory_space<vmem>> -> memref<128xi32, #tpu.memory_space<vmem>>
          %dma_start3A_234 = arith.constant 0 : i32
          %dma_start3A_235 = tpu.memref_slice %arg3[%add3A, %add3A_192, %dma_start3A_234] : memref<32x128x128xi32, #tpu.memory_space<hbm>> -> memref<1x1x128xi32, #tpu.memory_space<hbm>>
          %dma_start3A_236 = tpu.memref_squeeze %dma_start3A_235 : memref<1x1x128xi32, #tpu.memory_space<hbm>> -> memref<128xi32, #tpu.memory_space<hbm>>
          tpu.enqueue_dma source(%dma_start3A_236 : memref<128xi32, #tpu.memory_space<hbm>>) target(%dma_start3A_233 : memref<128xi32, #tpu.memory_space<vmem>>) target_semaphore(%run_scoped3A_224 : memref<!tpu.dma_semaphore, #tpu.memory_space<semaphore_mem>>)
          %dma_wait3A_237 = arith.constant 0 : i32
          %dma_wait3A_238 = tpu.memref_slice %arg8[%run_scoped3A_193, %dma_wait3A_237] : memref<2x128xi32, #tpu.memory_space<vmem>> -> memref<1x128xi32, #tpu.memory_space<vmem>>
          %dma_wait3A_239 = tpu.memref_squeeze %dma_wait3A_238 : memref<1x128xi32, #tpu.memory_space<vmem>> -> memref<128xi32, #tpu.memory_space<vmem>>
          %dma_wait3A_240 = arith.constant 0 : i32
          %dma_wait3A_241 = tpu.memref_slice %arg3[%add3A, %add3A_192, %dma_wait3A_240] : memref<32x128x128xi32, #tpu.memory_space<hbm>> -> memref<1x1x128xi32, #tpu.memory_space<hbm>>
          %dma_wait3A_242 = tpu.memref_squeeze %dma_wait3A_241 : memref<1x1x128xi32, #tpu.memory_space<hbm>> -> memref<128xi32, #tpu.memory_space<hbm>>
          %dma_wait3A_243 = arith.constant 0 : i32
          %dma_wait3A_244 = tpu.memref_slice %arg8[%run_scoped3A_193, %dma_wait3A_243] : memref<2x128xi32, #tpu.memory_space<vmem>> -> memref<1x128xi32, #tpu.memory_space<vmem>>
          %dma_wait3A_245 = tpu.memref_squeeze %dma_wait3A_244 : memref<1x128xi32, #tpu.memory_space<vmem>> -> memref<128xi32, #tpu.memory_space<vmem>>
          %dma_wait3A_246 = arith.constant 0 : i32
          %dma_wait3A_247 = tpu.memref_slice %arg3[%add3A, %add3A_192, %dma_wait3A_246] : memref<32x128x128xi32, #tpu.memory_space<hbm>> -> memref<1x1x128xi32, #tpu.memory_space<hbm>>
          %dma_wait3A_248 = tpu.memref_squeeze %dma_wait3A_247 : memref<1x1x128xi32, #tpu.memory_space<hbm>> -> memref<128xi32, #tpu.memory_space<hbm>>
          tpu.wait_dma2 semaphore(%run_scoped3A_224 : memref<!tpu.dma_semaphore, #tpu.memory_space<semaphore_mem>>) src(%dma_wait3A_248 : memref<128xi32, #tpu.memory_space<hbm>>) dst(%dma_wait3A_245 : memref<128xi32, #tpu.memory_space<vmem>>)
          tpu.yield
        }) : () -> ()
        %dma_start3A_194 = arith.constant 0 : i32
        %dma_start3A_195 = arith.constant 0 : i32
        %dma_start3A_196 = arith.constant 0 : i32
        %dma_start3A_197 = arith.constant 0 : i32
        %dma_start3A_198 = arith.constant 0 : i32
        %dma_start3A_199 = tpu.memref_slice %arg9[%dma_start3A_195, %dma_start3A_197, %dma_start3A_198] : memref<2x200x128xf32, #tpu.memory_space<vmem>> -> memref<1x128x128xf32, #tpu.memory_space<vmem>>
        %dma_start3A_200 = tpu.memref_squeeze %dma_start3A_199 : memref<1x128x128xf32, #tpu.memory_space<vmem>> -> memref<128x128xf32, #tpu.memory_space<vmem>>
        %dma_start3A_201 = arith.constant 0 : i32
        %dma_start3A_202 = tpu.memref_slice %arg7[%dma_start3A_194, %dma_start3A_201] : memref<2x128xi32, #tpu.memory_space<vmem>> -> memref<1x128xi32, #tpu.memory_space<vmem>>
        %dma_start3A_203 = tpu.memref_squeeze %dma_start3A_202 : memref<1x128xi32, #tpu.memory_space<vmem>> -> memref<128xi32, #tpu.memory_space<vmem>>
        %dma_start3A_204 = arith.constant 0 : i32
        %dma_start3A_205 = arith.constant 0 : i32
        %dma_start3A_206 = tpu.memref_slice %arg4[%dma_start3A_204, %dma_start3A_205] : memref<1000000x128xf32, #tpu.memory_space<hbm>> -> memref<1000000x128xf32, #tpu.memory_space<hbm>>
        %dma_start3A_207 = tpu.memref_slice %arg12[%dma_start3A_196] : memref<2x!tpu.dma_semaphore, #tpu.memory_space<semaphore_mem>> -> memref<1x!tpu.dma_semaphore, #tpu.memory_space<semaphore_mem>>
        %dma_start3A_208 = tpu.memref_squeeze %dma_start3A_207 : memref<1x!tpu.dma_semaphore, #tpu.memory_space<semaphore_mem>> -> memref<!tpu.dma_semaphore, #tpu.memory_space<semaphore_mem>>
        tpu.enqueue_indirect_dma source(%dma_start3A_206 : memref<1000000x128xf32, #tpu.memory_space<hbm>>) target(%dma_start3A_200 : memref<128x128xf32, #tpu.memory_space<vmem>>) offsets(%dma_start3A_203 : memref<128xi32, #tpu.memory_space<vmem>>) semaphore(%dma_start3A_208 : memref<!tpu.dma_semaphore, #tpu.memory_space<semaphore_mem>>)
        %dma_start3A_209 = arith.constant 0 : i32
        %dma_start3A_210 = arith.constant 0 : i32
        %dma_start3A_211 = arith.constant 0 : i32
        %dma_start3A_212 = arith.constant 72 : i32
        %dma_start3A_213 = arith.constant 0 : i32
        %dma_start3A_214 = tpu.memref_slice %arg9[%dma_start3A_210, %dma_start3A_212, %dma_start3A_213] : memref<2x200x128xf32, #tpu.memory_space<vmem>> -> memref<1x128x128xf32, #tpu.memory_space<vmem>>
        %dma_start3A_215 = tpu.memref_squeeze %dma_start3A_214 : memref<1x128x128xf32, #tpu.memory_space<vmem>> -> memref<128x128xf32, #tpu.memory_space<vmem>>
        %dma_start3A_216 = arith.constant 0 : i32
        %dma_start3A_217 = tpu.memref_slice %arg8[%dma_start3A_209, %dma_start3A_216] : memref<2x128xi32, #tpu.memory_space<vmem>> -> memref<1x128xi32, #tpu.memory_space<vmem>>
        %dma_start3A_218 = tpu.memref_squeeze %dma_start3A_217 : memref<1x128xi32, #tpu.memory_space<vmem>> -> memref<128xi32, #tpu.memory_space<vmem>>
        %dma_start3A_219 = arith.constant 0 : i32
        %dma_start3A_220 = arith.constant 0 : i32
        %dma_start3A_221 = tpu.memref_slice %arg4[%dma_start3A_219, %dma_start3A_220] : memref<1000000x128xf32, #tpu.memory_space<hbm>> -> memref<1000000x128xf32, #tpu.memory_space<hbm>>
        %dma_start3A_222 = tpu.memref_slice %arg12[%dma_start3A_211] : memref<2x!tpu.dma_semaphore, #tpu.memory_space<semaphore_mem>> -> memref<1x!tpu.dma_semaphore, #tpu.memory_space<semaphore_mem>>
        %dma_start3A_223 = tpu.memref_squeeze %dma_start3A_222 : memref<1x!tpu.dma_semaphore, #tpu.memory_space<semaphore_mem>> -> memref<!tpu.dma_semaphore, #tpu.memory_space<semaphore_mem>>
        tpu.enqueue_indirect_dma source(%dma_start3A_221 : memref<1000000x128xf32, #tpu.memory_space<hbm>>) target(%dma_start3A_215 : memref<128x128xf32, #tpu.memory_space<vmem>>) offsets(%dma_start3A_218 : memref<128xi32, #tpu.memory_space<vmem>>) semaphore(%dma_start3A_223 : memref<!tpu.dma_semaphore, #tpu.memory_space<semaphore_mem>>)
      } else {
      }
      %dma_wait3A_133 = arith.constant 1 : i32
      %dma_wait3A_134 = arith.constant 1 : i32
      %dma_wait3A_135 = arith.constant 1 : i32
      %dma_wait3A_136 = arith.constant 0 : i32
      %dma_wait3A_137 = arith.constant 0 : i32
      %dma_wait3A_138 = tpu.memref_slice %arg9[%dma_wait3A_134, %dma_wait3A_136, %dma_wait3A_137] : memref<2x200x128xf32, #tpu.memory_space<vmem>> -> memref<1x128x128xf32, #tpu.memory_space<vmem>>
      %dma_wait3A_139 = tpu.memref_squeeze %dma_wait3A_138 : memref<1x128x128xf32, #tpu.memory_space<vmem>> -> memref<128x128xf32, #tpu.memory_space<vmem>>
      %dma_wait3A_140 = arith.constant 0 : i32
      %dma_wait3A_141 = tpu.memref_slice %arg7[%dma_wait3A_133, %dma_wait3A_140] : memref<2x128xi32, #tpu.memory_space<vmem>> -> memref<1x128xi32, #tpu.memory_space<vmem>>
      %dma_wait3A_142 = tpu.memref_squeeze %dma_wait3A_141 : memref<1x128xi32, #tpu.memory_space<vmem>> -> memref<128xi32, #tpu.memory_space<vmem>>
      %dma_wait3A_143 = arith.constant 0 : i32
      %dma_wait3A_144 = arith.constant 0 : i32
      %dma_wait3A_145 = tpu.memref_slice %arg4[%dma_wait3A_143, %dma_wait3A_144] : memref<1000000x128xf32, #tpu.memory_space<hbm>> -> memref<1000000x128xf32, #tpu.memory_space<hbm>>
      %dma_wait3A_146 = tpu.memref_slice %arg12[%dma_wait3A_135] : memref<2x!tpu.dma_semaphore, #tpu.memory_space<semaphore_mem>> -> memref<1x!tpu.dma_semaphore, #tpu.memory_space<semaphore_mem>>
      %dma_wait3A_147 = tpu.memref_squeeze %dma_wait3A_146 : memref<1x!tpu.dma_semaphore, #tpu.memory_space<semaphore_mem>> -> memref<!tpu.dma_semaphore, #tpu.memory_space<semaphore_mem>>
      tpu.wait_indirect_dma semaphore(%dma_wait3A_147 : memref<!tpu.dma_semaphore, #tpu.memory_space<semaphore_mem>>) src(%dma_wait3A_145 : memref<1000000x128xf32, #tpu.memory_space<hbm>>) dst(%dma_wait3A_139 : memref<128x128xf32, #tpu.memory_space<vmem>>)
      %dma_wait3A_148 = arith.constant 1 : i32
      %dma_wait3A_149 = arith.constant 1 : i32
      %dma_wait3A_150 = arith.constant 1 : i32
      %dma_wait3A_151 = arith.constant 72 : i32
      %dma_wait3A_152 = arith.constant 0 : i32
      %dma_wait3A_153 = tpu.memref_slice %arg9[%dma_wait3A_149, %dma_wait3A_151, %dma_wait3A_152] : memref<2x200x128xf32, #tpu.memory_space<vmem>> -> memref<1x128x128xf32, #tpu.memory_space<vmem>>
      %dma_wait3A_154 = tpu.memref_squeeze %dma_wait3A_153 : memref<1x128x128xf32, #tpu.memory_space<vmem>> -> memref<128x128xf32, #tpu.memory_space<vmem>>
      %dma_wait3A_155 = arith.constant 0 : i32
      %dma_wait3A_156 = tpu.memref_slice %arg8[%dma_wait3A_148, %dma_wait3A_155] : memref<2x128xi32, #tpu.memory_space<vmem>> -> memref<1x128xi32, #tpu.memory_space<vmem>>
      %dma_wait3A_157 = tpu.memref_squeeze %dma_wait3A_156 : memref<1x128xi32, #tpu.memory_space<vmem>> -> memref<128xi32, #tpu.memory_space<vmem>>
      %dma_wait3A_158 = arith.constant 0 : i32
      %dma_wait3A_159 = arith.constant 0 : i32
      %dma_wait3A_160 = tpu.memref_slice %arg4[%dma_wait3A_158, %dma_wait3A_159] : memref<1000000x128xf32, #tpu.memory_space<hbm>> -> memref<1000000x128xf32, #tpu.memory_space<hbm>>
      %dma_wait3A_161 = tpu.memref_slice %arg12[%dma_wait3A_150] : memref<2x!tpu.dma_semaphore, #tpu.memory_space<semaphore_mem>> -> memref<1x!tpu.dma_semaphore, #tpu.memory_space<semaphore_mem>>
      %dma_wait3A_162 = tpu.memref_squeeze %dma_wait3A_161 : memref<1x!tpu.dma_semaphore, #tpu.memory_space<semaphore_mem>> -> memref<!tpu.dma_semaphore, #tpu.memory_space<semaphore_mem>>
      tpu.wait_indirect_dma semaphore(%dma_wait3A_162 : memref<!tpu.dma_semaphore, #tpu.memory_space<semaphore_mem>>) src(%dma_wait3A_160 : memref<1000000x128xf32, #tpu.memory_space<hbm>>) dst(%dma_wait3A_154 : memref<128x128xf32, #tpu.memory_space<vmem>>)
      %scan3A_163 = arith.constant 0 : i32
      %scan3A_164 = arith.constant 100 : i32
      %scan3A_165 = arith.addi %scan3A_163, %scan3A_164 : i32
      %scan3A_166 = arith.constant 1 : i32
      scf.for %scan3A_184 = %scan3A_163 to %scan3A_165 step %scan3A_166  : i32 {
        %mul3A_185 = arith.constant 1 : i32
        %mul3A_186 = arith.muli %scan3A_184, %mul3A_185 : i32
        %add3A_187 = arith.constant 0 : i32
        %add3A_188 = arith.addi %add3A_187, %mul3A_186 : i32
        %mul3A_189 = arith.constant 2 : i32
        %mul3A_190 = arith.muli %mul3A_189, %add3A_188 : i32
        %add3A_191 = arith.constant 0 : i32
        %add3A_192 = arith.addi %mul3A_190, %add3A_191 : i32
        %get3A = arith.constant 1 : i32
        %get3A_193 = arith.index_cast %get3A : i32 to index
        %get3A_194 = arith.index_cast %add3A_192 : i32 to index
        %get3A_195 = arith.constant 0 : index
        %get3A_196 = tpu.vector_load %arg9[%get3A_193, %get3A_194, %get3A_195] {strides = array<i32>} : memref<2x200x128xf32, #tpu.memory_space<vmem>>, vector<1x1x16xf32>,
        %get3A_197 = vector.shape_cast %get3A_196 : vector<1x1x16xf32> to vector<16xf32>
        %get3A_198 = arith.index_cast %add3A_188 : i32 to index
        %get3A_199 = arith.constant 0 : index
        %get3A_200 = tpu.vector_load %arg11[%get3A_198, %get3A_199] {strides = array<i32>} : memref<100x128xf32, #tpu.memory_space<vmem>>, vector<1x16xf32>,
        %get3A_201 = vector.shape_cast %get3A_200 : vector<1x16xf32> to vector<16xf32>
        %add3A_202 = arith.addf %get3A_197, %get3A_201 : vector<16xf32>
        %swap3A = arith.constant 1 : i32
        %swap3A_203 = arith.index_cast %swap3A : i32 to index
        %swap3A_204 = arith.index_cast %add3A_192 : i32 to index
        %swap3A_205 = arith.constant 0 : index
        %swap3A_206 = tpu.vector_load %arg10[%swap3A_203, %swap3A_204, %swap3A_205] {strides = array<i32>} : memref<2x200x64xf32, #tpu.memory_space<vmem>>, vector<1x1x16xf32>,
        %swap3A_207 = vector.shape_cast %swap3A_206 : vector<1x1x16xf32> to vector<16xf32>
        %swap3A_208 = vector.shape_cast %add3A_202 : vector<16xf32> to vector<1x1x16xf32>
        tpu.vector_store %arg10[%swap3A_203, %swap3A_204, %swap3A_205], %swap3A_208 {strides = array<i32>} : memref<2x200x64xf32, #tpu.memory_space<vmem>>, vector<1x1x16xf32>,
        %get3A_209 = arith.constant 1 : i32
        %get3A_210 = arith.index_cast %get3A_209 : i32 to index
        %get3A_211 = arith.index_cast %add3A_192 : i32 to index
        %get3A_212 = arith.constant 16 : index
        %get3A_213 = tpu.vector_load %arg9[%get3A_210, %get3A_211, %get3A_212] {strides = array<i32>} : memref<2x200x128xf32, #tpu.memory_space<vmem>>, vector<1x1x16xf32>,
        %get3A_214 = vector.shape_cast %get3A_213 : vector<1x1x16xf32> to vector<16xf32>
        %get3A_215 = arith.index_cast %add3A_188 : i32 to index
        %get3A_216 = arith.constant 16 : index
        %get3A_217 = tpu.vector_load %arg11[%get3A_215, %get3A_216] {strides = array<i32>} : memref<100x128xf32, #tpu.memory_space<vmem>>, vector<1x16xf32>,
        %get3A_218 = vector.shape_cast %get3A_217 : vector<1x16xf32> to vector<16xf32>
        %add3A_219 = arith.addf %get3A_214, %get3A_218 : vector<16xf32>
        %swap3A_220 = arith.constant 1 : i32
        %swap3A_221 = arith.index_cast %swap3A_220 : i32 to index
        %swap3A_222 = arith.index_cast %add3A_192 : i32 to index
        %swap3A_223 = arith.constant 16 : index
        %swap3A_224 = tpu.vector_load %arg10[%swap3A_221, %swap3A_222, %swap3A_223] {strides = array<i32>} : memref<2x200x64xf32, #tpu.memory_space<vmem>>, vector<1x1x16xf32>,
        %swap3A_225 = vector.shape_cast %swap3A_224 : vector<1x1x16xf32> to vector<16xf32>
        %swap3A_226 = vector.shape_cast %add3A_219 : vector<16xf32> to vector<1x1x16xf32>
        tpu.vector_store %arg10[%swap3A_221, %swap3A_222, %swap3A_223], %swap3A_226 {strides = array<i32>} : memref<2x200x64xf32, #tpu.memory_space<vmem>>, vector<1x1x16xf32>,
        %get3A_227 = arith.constant 1 : i32
        %get3A_228 = arith.index_cast %get3A_227 : i32 to index
        %get3A_229 = arith.index_cast %add3A_192 : i32 to index
        %get3A_230 = arith.constant 32 : index
        %get3A_231 = tpu.vector_load %arg9[%get3A_228, %get3A_229, %get3A_230] {strides = array<i32>} : memref<2x200x128xf32, #tpu.memory_space<vmem>>, vector<1x1x16xf32>,
        %get3A_232 = vector.shape_cast %get3A_231 : vector<1x1x16xf32> to vector<16xf32>
        %get3A_233 = arith.index_cast %add3A_188 : i32 to index
        %get3A_234 = arith.constant 32 : index
        %get3A_235 = tpu.vector_load %arg11[%get3A_233, %get3A_234] {strides = array<i32>} : memref<100x128xf32, #tpu.memory_space<vmem>>, vector<1x16xf32>,
        %get3A_236 = vector.shape_cast %get3A_235 : vector<1x16xf32> to vector<16xf32>
        %add3A_237 = arith.addf %get3A_232, %get3A_236 : vector<16xf32>
        %swap3A_238 = arith.constant 1 : i32
        %swap3A_239 = arith.index_cast %swap3A_238 : i32 to index
        %swap3A_240 = arith.index_cast %add3A_192 : i32 to index
        %swap3A_241 = arith.constant 32 : index
        %swap3A_242 = tpu.vector_load %arg10[%swap3A_239, %swap3A_240, %swap3A_241] {strides = array<i32>} : memref<2x200x64xf32, #tpu.memory_space<vmem>>, vector<1x1x16xf32>,
        %swap3A_243 = vector.shape_cast %swap3A_242 : vector<1x1x16xf32> to vector<16xf32>
        %swap3A_244 = vector.shape_cast %add3A_237 : vector<16xf32> to vector<1x1x16xf32>
        tpu.vector_store %arg10[%swap3A_239, %swap3A_240, %swap3A_241], %swap3A_244 {strides = array<i32>} : memref<2x200x64xf32, #tpu.memory_space<vmem>>, vector<1x1x16xf32>,
        %get3A_245 = arith.constant 1 : i32
        %get3A_246 = arith.index_cast %get3A_245 : i32 to index
        %get3A_247 = arith.index_cast %add3A_192 : i32 to index
        %get3A_248 = arith.constant 48 : index
        %get3A_249 = tpu.vector_load %arg9[%get3A_246, %get3A_247, %get3A_248] {strides = array<i32>} : memref<2x200x128xf32, #tpu.memory_space<vmem>>, vector<1x1x16xf32>,
        %get3A_250 = vector.shape_cast %get3A_249 : vector<1x1x16xf32> to vector<16xf32>
        %get3A_251 = arith.index_cast %add3A_188 : i32 to index
        %get3A_252 = arith.constant 48 : index
        %get3A_253 = tpu.vector_load %arg11[%get3A_251, %get3A_252] {strides = array<i32>} : memref<100x128xf32, #tpu.memory_space<vmem>>, vector<1x16xf32>,
        %get3A_254 = vector.shape_cast %get3A_253 : vector<1x16xf32> to vector<16xf32>
        %add3A_255 = arith.addf %get3A_250, %get3A_254 : vector<16xf32>
        %swap3A_256 = arith.constant 1 : i32
        %swap3A_257 = arith.index_cast %swap3A_256 : i32 to index
        %swap3A_258 = arith.index_cast %add3A_192 : i32 to index
        %swap3A_259 = arith.constant 48 : index
        %swap3A_260 = tpu.vector_load %arg10[%swap3A_257, %swap3A_258, %swap3A_259] {strides = array<i32>} : memref<2x200x64xf32, #tpu.memory_space<vmem>>, vector<1x1x16xf32>,
        %swap3A_261 = vector.shape_cast %swap3A_260 : vector<1x1x16xf32> to vector<16xf32>
        %swap3A_262 = vector.shape_cast %add3A_255 : vector<16xf32> to vector<1x1x16xf32>
        tpu.vector_store %arg10[%swap3A_257, %swap3A_258, %swap3A_259], %swap3A_262 {strides = array<i32>} : memref<2x200x64xf32, #tpu.memory_space<vmem>>, vector<1x1x16xf32>,
        %mul3A_263 = arith.constant 2 : i32
        %mul3A_264 = arith.muli %mul3A_263, %add3A_188 : i32
        %add3A_265 = arith.constant 1 : i32
        %add3A_266 = arith.addi %mul3A_264, %add3A_265 : i32
        %get3A_267 = arith.constant 1 : i32
        %get3A_268 = arith.index_cast %get3A_267 : i32 to index
        %get3A_269 = arith.index_cast %add3A_266 : i32 to index
        %get3A_270 = arith.constant 0 : index
        %get3A_271 = tpu.vector_load %arg9[%get3A_268, %get3A_269, %get3A_270] {strides = array<i32>} : memref<2x200x128xf32, #tpu.memory_space<vmem>>, vector<1x1x16xf32>,
        %get3A_272 = vector.shape_cast %get3A_271 : vector<1x1x16xf32> to vector<16xf32>
        %get3A_273 = arith.index_cast %add3A_188 : i32 to index
        %get3A_274 = arith.constant 64 : index
        %get3A_275 = tpu.vector_load %arg11[%get3A_273, %get3A_274] {strides = array<i32>} : memref<100x128xf32, #tpu.memory_space<vmem>>, vector<1x16xf32>,
        %get3A_276 = vector.shape_cast %get3A_275 : vector<1x16xf32> to vector<16xf32>
        %add3A_277 = arith.addf %get3A_272, %get3A_276 : vector<16xf32>
        %swap3A_278 = arith.constant 1 : i32
        %swap3A_279 = arith.index_cast %swap3A_278 : i32 to index
        %swap3A_280 = arith.index_cast %add3A_266 : i32 to index
        %swap3A_281 = arith.constant 0 : index
        %swap3A_282 = tpu.vector_load %arg10[%swap3A_279, %swap3A_280, %swap3A_281] {strides = array<i32>} : memref<2x200x64xf32, #tpu.memory_space<vmem>>, vector<1x1x16xf32>,
        %swap3A_283 = vector.shape_cast %swap3A_282 : vector<1x1x16xf32> to vector<16xf32>
        %swap3A_284 = vector.shape_cast %add3A_277 : vector<16xf32> to vector<1x1x16xf32>
        tpu.vector_store %arg10[%swap3A_279, %swap3A_280, %swap3A_281], %swap3A_284 {strides = array<i32>} : memref<2x200x64xf32, #tpu.memory_space<vmem>>, vector<1x1x16xf32>,
        %get3A_285 = arith.constant 1 : i32
        %get3A_286 = arith.index_cast %get3A_285 : i32 to index
        %get3A_287 = arith.index_cast %add3A_266 : i32 to index
        %get3A_288 = arith.constant 16 : index
        %get3A_289 = tpu.vector_load %arg9[%get3A_286, %get3A_287, %get3A_288] {strides = array<i32>} : memref<2x200x128xf32, #tpu.memory_space<vmem>>, vector<1x1x16xf32>,
        %get3A_290 = vector.shape_cast %get3A_289 : vector<1x1x16xf32> to vector<16xf32>
        %get3A_291 = arith.index_cast %add3A_188 : i32 to index
        %get3A_292 = arith.constant 80 : index
        %get3A_293 = tpu.vector_load %arg11[%get3A_291, %get3A_292] {strides = array<i32>} : memref<100x128xf32, #tpu.memory_space<vmem>>, vector<1x16xf32>,
        %get3A_294 = vector.shape_cast %get3A_293 : vector<1x16xf32> to vector<16xf32>
        %add3A_295 = arith.addf %get3A_290, %get3A_294 : vector<16xf32>
        %swap3A_296 = arith.constant 1 : i32
        %swap3A_297 = arith.index_cast %swap3A_296 : i32 to index
        %swap3A_298 = arith.index_cast %add3A_266 : i32 to index
        %swap3A_299 = arith.constant 16 : index
        %swap3A_300 = tpu.vector_load %arg10[%swap3A_297, %swap3A_298, %swap3A_299] {strides = array<i32>} : memref<2x200x64xf32, #tpu.memory_space<vmem>>, vector<1x1x16xf32>,
        %swap3A_301 = vector.shape_cast %swap3A_300 : vector<1x1x16xf32> to vector<16xf32>
        %swap3A_302 = vector.shape_cast %add3A_295 : vector<16xf32> to vector<1x1x16xf32>
        tpu.vector_store %arg10[%swap3A_297, %swap3A_298, %swap3A_299], %swap3A_302 {strides = array<i32>} : memref<2x200x64xf32, #tpu.memory_space<vmem>>, vector<1x1x16xf32>,
        %get3A_303 = arith.constant 1 : i32
        %get3A_304 = arith.index_cast %get3A_303 : i32 to index
        %get3A_305 = arith.index_cast %add3A_266 : i32 to index
        %get3A_306 = arith.constant 32 : index
        %get3A_307 = tpu.vector_load %arg9[%get3A_304, %get3A_305, %get3A_306] {strides = array<i32>} : memref<2x200x128xf32, #tpu.memory_space<vmem>>, vector<1x1x16xf32>,
        %get3A_308 = vector.shape_cast %get3A_307 : vector<1x1x16xf32> to vector<16xf32>
        %get3A_309 = arith.index_cast %add3A_188 : i32 to index
        %get3A_310 = arith.constant 96 : index
        %get3A_311 = tpu.vector_load %arg11[%get3A_309, %get3A_310] {strides = array<i32>} : memref<100x128xf32, #tpu.memory_space<vmem>>, vector<1x16xf32>,
        %get3A_312 = vector.shape_cast %get3A_311 : vector<1x16xf32> to vector<16xf32>
        %add3A_313 = arith.addf %get3A_308, %get3A_312 : vector<16xf32>
        %swap3A_314 = arith.constant 1 : i32
        %swap3A_315 = arith.index_cast %swap3A_314 : i32 to index
        %swap3A_316 = arith.index_cast %add3A_266 : i32 to index
        %swap3A_317 = arith.constant 32 : index
        %swap3A_318 = tpu.vector_load %arg10[%swap3A_315, %swap3A_316, %swap3A_317] {strides = array<i32>} : memref<2x200x64xf32, #tpu.memory_space<vmem>>, vector<1x1x16xf32>,
        %swap3A_319 = vector.shape_cast %swap3A_318 : vector<1x1x16xf32> to vector<16xf32>
        %swap3A_320 = vector.shape_cast %add3A_313 : vector<16xf32> to vector<1x1x16xf32>
        tpu.vector_store %arg10[%swap3A_315, %swap3A_316, %swap3A_317], %swap3A_320 {strides = array<i32>} : memref<2x200x64xf32, #tpu.memory_space<vmem>>, vector<1x1x16xf32>,
        %get3A_321 = arith.constant 1 : i32
        %get3A_322 = arith.index_cast %get3A_321 : i32 to index
        %get3A_323 = arith.index_cast %add3A_266 : i32 to index
        %get3A_324 = arith.constant 48 : index
        %get3A_325 = tpu.vector_load %arg9[%get3A_322, %get3A_323, %get3A_324] {strides = array<i32>} : memref<2x200x128xf32, #tpu.memory_space<vmem>>, vector<1x1x16xf32>,
        %get3A_326 = vector.shape_cast %get3A_325 : vector<1x1x16xf32> to vector<16xf32>
        %get3A_327 = arith.index_cast %add3A_188 : i32 to index
        %get3A_328 = arith.constant 112 : index
        %get3A_329 = tpu.vector_load %arg11[%get3A_327, %get3A_328] {strides = array<i32>} : memref<100x128xf32, #tpu.memory_space<vmem>>, vector<1x16xf32>,
        %get3A_330 = vector.shape_cast %get3A_329 : vector<1x16xf32> to vector<16xf32>
        %add3A_331 = arith.addf %get3A_326, %get3A_330 : vector<16xf32>
        %swap3A_332 = arith.constant 1 : i32
        %swap3A_333 = arith.index_cast %swap3A_332 : i32 to index
        %swap3A_334 = arith.index_cast %add3A_266 : i32 to index
        %swap3A_335 = arith.constant 48 : index
        %swap3A_336 = tpu.vector_load %arg10[%swap3A_333, %swap3A_334, %swap3A_335] {strides = array<i32>} : memref<2x200x64xf32, #tpu.memory_space<vmem>>, vector<1x1x16xf32>,
        %swap3A_337 = vector.shape_cast %swap3A_336 : vector<1x1x16xf32> to vector<16xf32>
        %swap3A_338 = vector.shape_cast %add3A_331 : vector<16xf32> to vector<1x1x16xf32>
        tpu.vector_store %arg10[%swap3A_333, %swap3A_334, %swap3A_335], %swap3A_338 {strides = array<i32>} : memref<2x200x64xf32, #tpu.memory_space<vmem>>, vector<1x1x16xf32>,
      }
      %scan3A_167 = arith.constant 100 : i32
      %dma_start3A_168 = arith.constant 1 : i32
      %dma_start3A_169 = arith.constant 1 : i32
      %dma_start3A_170 = arith.constant 0 : i32
      %dma_start3A_171 = arith.constant 0 : i32
      %dma_start3A_172 = tpu.memref_slice %arg10[%dma_start3A_168, %dma_start3A_170, %dma_start3A_171] : memref<2x200x64xf32, #tpu.memory_space<vmem>> -> memref<1x200x64xf32, #tpu.memory_space<vmem>>
      %dma_start3A_173 = tpu.memref_squeeze %dma_start3A_172 : memref<1x200x64xf32, #tpu.memory_space<vmem>> -> memref<200x64xf32, #tpu.memory_space<vmem>>
      %dma_start3A_174 = arith.constant 0 : i32
      %dma_start3A_175 = tpu.memref_slice %arg6[%add3A_125, %dma_start3A_174] : memref<819200x64xf32, #tpu.memory_space<hbm>> -> memref<200x64xf32, #tpu.memory_space<hbm>>
      %dma_start3A_176 = tpu.memref_slice %arg13[%dma_start3A_169] : memref<2x!tpu.dma_semaphore, #tpu.memory_space<semaphore_mem>> -> memref<1x!tpu.dma_semaphore, #tpu.memory_space<semaphore_mem>>
      %dma_start3A_177 = tpu.memref_squeeze %dma_start3A_176 : memref<1x!tpu.dma_semaphore, #tpu.memory_space<semaphore_mem>> -> memref<!tpu.dma_semaphore, #tpu.memory_space<semaphore_mem>>
      %dma_start3A_178 = arith.constant 0 : i32
      %dma_start3A_179 = tpu.memref_slice %arg6[%add3A_125, %dma_start3A_178] : memref<819200x64xf32, #tpu.memory_space<hbm>> -> memref<200x64xf32, #tpu.memory_space<hbm>>
      %dma_start3A_180 = arith.constant 0 : i32
      %dma_start3A_181 = arith.constant 0 : i32
      %dma_start3A_182 = tpu.memref_slice %arg10[%dma_start3A_168, %dma_start3A_180, %dma_start3A_181] : memref<2x200x64xf32, #tpu.memory_space<vmem>> -> memref<1x200x64xf32, #tpu.memory_space<vmem>>
      %dma_start3A_183 = tpu.memref_squeeze %dma_start3A_182 : memref<1x200x64xf32, #tpu.memory_space<vmem>> -> memref<200x64xf32, #tpu.memory_space<vmem>>
      tpu.enqueue_dma source(%dma_start3A_183 : memref<200x64xf32, #tpu.memory_space<vmem>>) target(%dma_start3A_179 : memref<200x64xf32, #tpu.memory_space<hbm>>) target_semaphore(%dma_start3A_177 : memref<!tpu.dma_semaphore, #tpu.memory_space<semaphore_mem>>)
    }
    %scan3A_38 = arith.constant 64 : i32
    %add3A_39 = arith.constant 25400 : i32
    %add3A_40 = arith.addi %mul3A_2, %add3A_39 : i32
    %dma_wait3A = arith.constant 1 : i32
    %dma_wait3A_41 = arith.constant 1 : i32
    %dma_wait3A_42 = arith.constant 0 : i32
    %dma_wait3A_43 = arith.constant 0 : i32
    %dma_wait3A_44 = tpu.memref_slice %arg10[%dma_wait3A, %dma_wait3A_42, %dma_wait3A_43] : memref<2x200x64xf32, #tpu.memory_space<vmem>> -> memref<1x200x64xf32, #tpu.memory_space<vmem>>
    %dma_wait3A_45 = tpu.memref_squeeze %dma_wait3A_44 : memref<1x200x64xf32, #tpu.memory_space<vmem>> -> memref<200x64xf32, #tpu.memory_space<vmem>>
    %dma_wait3A_46 = arith.constant 0 : i32
    %dma_wait3A_47 = tpu.memref_slice %arg6[%add3A_40, %dma_wait3A_46] : memref<819200x64xf32, #tpu.memory_space<hbm>> -> memref<200x64xf32, #tpu.memory_space<hbm>>
    %dma_wait3A_48 = tpu.memref_slice %arg13[%dma_wait3A_41] : memref<2x!tpu.dma_semaphore, #tpu.memory_space<semaphore_mem>> -> memref<1x!tpu.dma_semaphore, #tpu.memory_space<semaphore_mem>>
    %dma_wait3A_49 = tpu.memref_squeeze %dma_wait3A_48 : memref<1x!tpu.dma_semaphore, #tpu.memory_space<semaphore_mem>> -> memref<!tpu.dma_semaphore, #tpu.memory_space<semaphore_mem>>
    %dma_wait3A_50 = arith.constant 0 : i32
    %dma_wait3A_51 = tpu.memref_slice %arg6[%add3A_40, %dma_wait3A_50] : memref<819200x64xf32, #tpu.memory_space<hbm>> -> memref<200x64xf32, #tpu.memory_space<hbm>>
    %dma_wait3A_52 = arith.constant 0 : i32
    %dma_wait3A_53 = arith.constant 0 : i32
    %dma_wait3A_54 = tpu.memref_slice %arg10[%dma_wait3A, %dma_wait3A_52, %dma_wait3A_53] : memref<2x200x64xf32, #tpu.memory_space<vmem>> -> memref<1x200x64xf32, #tpu.memory_space<vmem>>
    %dma_wait3A_55 = tpu.memref_squeeze %dma_wait3A_54 : memref<1x200x64xf32, #tpu.memory_space<vmem>> -> memref<200x64xf32, #tpu.memory_space<vmem>>
    tpu.wait_dma2 semaphore(%dma_wait3A_49 : memref<!tpu.dma_semaphore, #tpu.memory_space<semaphore_mem>>) src(%dma_wait3A_55 : memref<200x64xf32, #tpu.memory_space<vmem>>) dst(%dma_wait3A_51 : memref<200x64xf32, #tpu.memory_space<hbm>>)
    return
  }
}

</mosaic_0001>

<sc_bundles>
// kernel: kernel.3.cloned.1.call-start
scs
__scs_entry_jumppad:
0x0: {  	(pc) =	sbr.rel $0x88, $3  }
0x1: {  	(tag) =	ssettag $0x0;
	lr =	simm.s32 $0x1  }
0x2: {  	[smem:$0x3F9E] =	sst lr;
	_ =	strace $0xD0000000  }
0x3: {  	_ = 	snop  }
0x4: {  	_ = 	snop  }
0x5: {  	_ = 	snop  }
0x6: {  	_ = 	snop  }
0x7: {  	_ = 	snop  }
__scs_overlays_trampoline_lowered:
0x8: {  	[smem:$0x3FAD] =	sst s0  }
0x9: {  	[smem:$0x3FAE] =	sst s1  }
0xa: {  	[smem:$0x3FAF] =	sst s2  }
0xb: {  	[smem:$0x3FB0] =	sst s3  }
0xc: {  	[smem:$0x3FB1] =	sst s4  }
0xd: {  	[smem:$0x3FB2] =	sst s5  }
0xe: {  	[smem:$0x3FB3] =	sst s6  }
0xf: {  	[smem:$0x3FB4] =	sst s7  }
0x10: {  	[smem:$0x3FB5] =	sst s8  }
0x11: {  	[smem:$0x3FB6] =	sst s9;
	s0 =	simm.s32 @!p0 $0x0  }
0x12: {  	s1 =	sld [smem:$0x3F9C];
	s0 =	simm.s32 @p0 $0x1  }
0x13: {  	[smem:$0x3FB7] =	sst s0;
	s0 =	simm.s32 @!p1 $0x0  }
0x14: {  	s2 =	sld [smem:$0x3F9B];
	s0 =	simm.s32 @p1 $0x1  }
0x15: {  	[smem:$0x3FB8] =	sst s0;
	s0 =	simm.s32 @!p2 $0x0  }
0x16: {  	s3 =	sld [smem:$0x3FDB];
	s0 =	simm.s32 @p2 $0x1  }
0x17: {  	s4 =	simm.s32 $0x1BF5;
	[smem:$0x3FBA] =	sst s0  }
0x18: {  	s0 =	sld [smem:$0x3F9D];
	_ =	swait.ge [sflag:s4], $0x0  }
0x19: {  	s7 =	sld [smem:$0x3F9E]  }
0x1a: {  	s8 =	sadd.s32 $0xFFFFE003, lr  }
0x1b: {  	s9 =	sadd.s32 $0xFFFFFEF7, lr;
	s5 =	simm.s32 $0xFFFFFFFF;
	p2 =	slt.u32 s8, $0xFFFFF086  }
0x1c: {  	p1 =	slt.u32 s9, $0xF7A;
	s5 =	simm.s32 @!p2 $0x0  }
0x1d: {  	s5 =	simm.s32 @p1 $0x1;
	p0 =	seq.s32 s7, s2  }
0x1e: {  	s7 =	smul.u32 @!p0 $0xF7A, s2;
	p2 =	seq.s32 @!p0 s5, $0x0  }
0x1f: {  	s9 =	smul.u32 $0xF7A, s1;
	s8 =	simm.s32 @!p0 $0x1BF5;
	p2 =	por !p2, p0  }
0x20: {  	[sflag:s8] =	ssyncset.s32 @!p0 $0xFFFFF086;
	s6 =	sadd.s32 @!p0 s3, s7;
	s7 =	simm.s32 @!p0 $0x108  }
0x21: {  	s3 =	sadd.s32 s3, s9;
	s6 =	sadd.s32 @!p0 $0x88, s6;
	s7 =	simm.s32 @p2 $0x1082  }
0x22: {  	[simem:s7], [sflag:s8] =	dma.local @!p0 [hbm:s6], $0xF7A  }
0x23: {  	s9 =	sor.u32 $0xD0000000, s2;
	s6 =	simm.s32 $0x108;
	_ =	swait.ge @!p0 [sflag:s8], $0x0  }
0x24: {  	s3 =	sadd.s32 $0x88, s3;
	s6 =	simm.s32 @!p1 $0x1082;
	[sflag:s4] =	ssyncset.s32 $0xFFFFF086  }
0x25: {  	[simem:s6], [sflag:s4] =	dma.local [hbm:s3], $0xF7A  }
0x26: {  	[smem:$0x3F9E] =	sst s1;
	(tag) =	ssettag s2;
	_ =	strace s9  }
0x27: {  	s1 =	sld [smem:$0x3FAE]  }
0x28: {  	s2 =	sld [smem:$0x3FAF]  }
0x29: {  	s4 =	sld [smem:$0x3FB1]  }
0x2a: {  	p0 =	seq.s32 s5, $0x0;
	s5 =	sld [smem:$0x3FB2]  }
0x2b: {  	s6 =	sld [smem:$0x3FB3]  }
0x2c: {  	s7 =	sld [smem:$0x3FB4]  }
0x2d: {  	s3 =	simm.s32 $0x108;
	s8 =	sld [smem:$0x3FB5]  }
0x2e: {  	s3 =	simm.s32 @!p0 $0x1082;
	s9 =	sld [smem:$0x3FB6]  }
0x2f: {  	lr =	sadd.s32 s0, s3;
	s0 =	sld [smem:$0x3FAD]  }
0x30: {  	s3 =	sld [smem:$0x3FB0]  }
0x31: {  	[smem:$0x3FB9] =	sst s10  }
0x32: {  	s10 =	sld [smem:$0x3FB7];
	_ =	sdelay $0x3  }
0x33: {  	p0 =	seq.s32 s10, $0x1;
	s10 =	sld [smem:$0x3FB9];
	_ =	sdelay $0x3  }
0x34: {  	[smem:$0x3FB9] =	sst s10  }
0x35: {  	s10 =	sld [smem:$0x3FB8];
	_ =	sdelay $0x3  }
0x36: {  	p1 =	seq.s32 s10, $0x1;
	s10 =	sld [smem:$0x3FB9];
	_ =	sdelay $0x3  }
0x37: {  	[smem:$0x3FB9] =	sst s10  }
0x38: {  	s10 =	sld [smem:$0x3FBA]  }
0x39: {  	_ = 	snop;
	(pc) =	sbr.ind lr, $3  }
0x3a: {  	_ = 	snop  }
0x3b: {  	_ = 	snop  }
0x3c: {  	p2 =	seq.s32 s10, $0x1;
	s10 =	sld [smem:$0x3FB9]  }
0x3d: {  	_ =	shalt  }
0x3e: {  	_ =	shalt  }
0x3f: {  	_ =	shalt  }
0x40: {  	_ =	shalt  }
0x41: {  	_ =	shalt  }
0x42: {  	_ =	shalt  }
0x43: {  	_ =	shalt  }
0x44: {  	_ =	shalt  }
0x45: {  	_ =	shalt  }
0x46: {  	_ =	shalt  }
0x47: {  	_ =	shalt  }
0x48: {  	_ =	shalt  }
0x49: {  	_ =	shalt  }
0x4a: {  	_ =	shalt  }
0x4b: {  	_ =	shalt  }
0x4c: {  	_ =	shalt  }
0x4d: {  	_ =	shalt  }
0x4e: {  	_ =	shalt  }
0x4f: {  	_ =	shalt  }
0x50: {  	_ =	shalt  }
0x51: {  	_ =	shalt  }
0x52: {  	_ =	shalt  }
0x53: {  	_ =	shalt  }
0x54: {  	_ =	shalt  }
0x55: {  	_ =	shalt  }
0x56: {  	_ =	shalt  }
0x57: {  	_ =	shalt  }
0x58: {  	_ =	shalt  }
0x59: {  	_ =	shalt  }
0x5a: {  	_ =	shalt  }
0x5b: {  	_ =	shalt  }
0x5c: {  	_ =	shalt  }
0x5d: {  	_ =	shalt  }
0x5e: {  	_ =	shalt  }
0x5f: {  	_ =	shalt  }
0x60: {  	_ =	shalt  }
0x61: {  	_ =	shalt  }
0x62: {  	_ =	shalt  }
0x63: {  	_ =	shalt  }
0x64: {  	_ =	shalt  }
0x65: {  	_ =	shalt  }
0x66: {  	_ =	shalt  }
0x67: {  	_ =	shalt  }
0x68: {  	_ =	shalt  }
0x69: {  	_ =	shalt  }
0x6a: {  	_ =	shalt  }
0x6b: {  	_ =	shalt  }
0x6c: {  	_ =	shalt  }
0x6d: {  	_ =	shalt  }
0x6e: {  	_ =	shalt  }
0x6f: {  	_ =	shalt  }
0x70: {  	_ =	shalt  }
0x71: {  	_ =	shalt  }
0x72: {  	_ =	shalt  }
0x73: {  	_ =	shalt  }
0x74: {  	_ =	shalt  }
0x75: {  	_ =	shalt  }
0x76: {  	_ =	shalt  }
0x77: {  	_ =	shalt  }
0x78: {  	_ =	shalt  }
0x79: {  	_ =	shalt  }
0x7a: {  	_ =	shalt  }
0x7b: {  	_ =	shalt  }
0x7c: {  	_ =	shalt  }
0x7d: {  	_ =	shalt  }
0x7e: {  	_ =	shalt  }
0x7f: {  	_ =	shalt  }
0x80: {  	_ =	shalt  }
0x81: {  	_ =	shalt  }
0x82: {  	_ =	shalt  }
0x83: {  	_ =	shalt  }
0x84: {  	_ =	shalt  }
0x85: {  	_ =	shalt  }
0x86: {  	_ =	shalt  }
0x87: {  	_ =	shalt  }
.Lfunc_end0:
.L_simem_size_0:
called_computation.1_lowered:
.L_overlay_start_0:
0x88: {  	s2 =	sld [smem:$0x3FD9]  }
0x89: {  	s3 =	sld [smem:$0x3FFE];
	_ =	sdelay $0x1  }
0x8a: {  	s1 =	srdreg.scid  }
0x8b: {  	s0 =	sand.u32 $0x1, s1  }
0x8c: {  	s17 =	sshll.u32 s0, $0xA;
	s2 =	sadd.s32 s3, s2  }
0x8d: {  	s2 =	sadd.s32 s2, s17  }
0x8e: {  	[smem:$0x3FC5] =	sst s2  }
0x8f: {  	_ = 	snop  }
0x90: {  	s2 =	sld [smem:$0x3FD0];
	(tm) =	ssettm $0x1  }
0x91: {  	s18 =	sld [smem:$0x3FFB];
	_ =	sdelay $0x3  }
0x92: {  	_ =	strace s18  }
0x93: {  	s3 =	sld [smem:$0x3FFC];
	_ =	sdelay $0x3  }
0x94: {  	_ =	strace s3  }
0x95: {  	s3 =	sld [smem:$0x3FFD];
	_ =	sdelay $0x3  }
0x96: {  	_ =	strace s3  }
0x97: {  	_ =	strace $0x8FFFFFFF  }
0x98: {  	s19 =	sld [smem:$0x3FDB];
	_ =	sdelay $0x1  }
0x99: {  	s4 =	simm.s32 $_scs_section_size  }
0x9a: {  	s5 =	simm.s32 $_size__tile_overlayer_lowered;
	s6 =	simm.s32 $_tile_overlayer_lowered  }
0x9b: {  	s22 =	simm.s32 $0x1BFF;
	s21 =	sshll.u32 s6, $0x1;
	s3 =	sadd.s32 s4, s19  }
0x9c: {  	s7 =	simm.s32 $0x0;
	s20 =	sshll.u32 s5, $0x1;
	s5 =	sadd.s32 s21, s3  }
0x9d: {  	[timem:s7], [sflag:s22] =	dma.local [hbm:s5], s20  }
0x9e: {  	_ =	swait.ge [sflag:s22], s20  }
0x9f: {  	s4 =	ssub.s32 $0x0, s20;
	[sflag:s22] =	ssyncset.done $0x0  }
0xa0: {  	[sflag:s22] =	ssyncadd.s32 s4;
	_ =	sdelay $0x1  }
0xa1: {  	s23 =	simm.s32 $0x1B8B  }
0xa2: {  	_ =	swait.ge [sflag:s23], $0x1  }
0xa3: {  	[sflag:s23] =	ssyncset.done $0x0  }
0xa4: {  	s25 =	simm.s32 $0x1B8E;
	s24 =	sld [smem:$0x3FFE];
	[sflag:s23] =	ssyncadd.s32 $0xFFFFFFFF  }
0xa5: {  	s26 =	simm.s32 $execute0_lowered;
	[smem:$0x3FD2] =	sst s25  }
0xa6: {  	s5 =	sshll.u32 s26, $0x1;
	_ =	strace $0x80000046;
	[dreg:$0x1] =	wrdreg $0xFFFFFFFF  }
0xa7: {  	s28 =	simm.s32 $_size_execute0_lowered;
	s3 =	sadd.s32 s3, s5;
	[dreg:$0x0] =	wrdreg $0x0  }
0xa8: {  	s5 =	sshll.u32 s28, $0x1;
	[dreg:$0x2] =	wrdreg s3  }
0xa9: {  	[dreg:$0x3] =	wrdreg s5  }
0xaa: {  	[dreg:$0x4] =	wrdreg $0xC0  }
0xab: {  	_ =	task [dreg:s7], $0x5FFFF  }
0xac: {  	[dreg:$0x1] =	wrdreg $0xFFFFFFFF  }
0xad: {  	[dreg:$0x0] =	wrdreg $0x60  }
0xae: {  	[dreg:$0x2] =	wrdreg s2  }
0xaf: {  	[dreg:$0x3] =	wrdreg s24  }
0xb0: {  	[dreg:$0x4] =	wrdreg $0x9  }
0xb1: {  	_ =	task.clear_ibuf [dreg:s7], $0x5FFFF;
	_ =	strace $0x90000046  }
0xb2: {  	s29 =	simm.s32 $0x9;
	_ =	strace $0x80000048  }
0xb3: {  	_ =	swait.ge [sflag:s29], $0x1  }
0xb4: {  	[sflag:s29] =	ssyncadd.s32 $0xFFFFFFFF  }
0xb5: {  	_ =	strace $0x90000048  }
0xb6: {  	_ =	sfence  }
0xb7: {  	s30 =	sld [smem:$0x0];
	_ =	sdelay $0x2  }
0xb8: {  	s31 =	sshll.u32 s1, $0xD;
	s1 =	sshrl.u32 s1, $0x2  }
0xb9: {  	s3 =	sand.u32 $0x4000, s31;
	s1 =	sadd.s32 s1, s30  }
0xba: {  	s0 =	sor.u32 s3, s0;
	s1 =	sshll.u32 s1, $0x11  }
0xbb: {  	s0 =	sor.u32 s1, s0  }
0xbc: {  	s0 =	sadd.s32 $0x8F2B, s0  }
0xbd: {  	[sflag:s0] =	ssyncadd.remote.s32 $0x1  }
0xbe: {  	_ =	sfence.sel $0xFFFF  }
0xbf: {  	[dreg:$0x0] =	wrdreg $0xFFFFFFFF;
	(pc) =	sbr.abs _section_cstart, $3  }
0xc0: {  	[dreg:$0x1] =	wrdreg $0xFFFFFFFF  }
0xc1: {  	_ =	task.clear_ibuf [dreg:s7], $0x2FFFF;
	_ =	strace $0x9FFFFFFF  }
0xc2: {  	(tm) =	ssettm $0x7FFFFFFF  }
0xc3: {  	_ =	shalt  }
tec
execute0_lowered:
.L_overlay_start_1:
0x0: {  	(tag) =	ssettag $0x1  }
0x1: {  	s1 =	rddreg [dreg:$0x0]  }
0x2: {  	s0 =	rddreg [dreg:$0x1]  }
0x3: {  	s2 =	simm.s32 $0x0;
	s3 =	srdreg.scid;
	s7 =	stileid.u32  }
0x4: {  	s14 =	simm.s32 $0x5;
	s15 =	simm.s32 $0x100;
	s16 =	simm.s32 $0x80  }
0x5: {  	s19 =	simm.s32 $0x180;
	s20 =	simm.s32 $0x6600;
	s21 =	simm.s32 $0x8A00  }
0x6: {  	s22 =	simm.s32 $0x1;
	s23 =	simm.s32 $0xCA00;
	s24 =	simm.s32 $0x2  }
0x7: {  	s25 =	simm.s32 $0x12E00;
	s26 =	simm.s32 $0x4;
	s28 =	simm.s32 $0x0  }
0x8: {  	[smem:$0x7FF] =	sst s2;
	s4 =	sadd.s32 $0xC00, s0;
	s3 =	sand.u32 $0x1, s3  }
0x9: {  	s5 =	sadd.s32 $0xF53800, s0;
	s6 =	sadd.s32 $0xF53000, s0;
	s8 =	ssub.s32 $0x2, s3  }
0xa: {  	s10 =	sshll.u32 s7, $0x1;
	s7 =	sadd.s32 $0x10C00, s0;
	s9 =	sshrl.u32 s8, $0x1  }
0xb: {  	_ =	strace $0x80000047;
	s3 =	sor.u32 s3, s10;
	s31 =	ssub.s32 s8, s9  }
0xc: {  	s8 =	smul.u32 $0x6400, s3;
	s9 =	sshll.u32 s3, $0xE;
	s3 =	sshll.u32 s3, $0xB  }
0xd: {  	s10 =	sadd.s32 s1, s3;
	s11 =	sadd.s32 s4, s3;
	s12 =	smax.u32 s31, $0x1  }
.LBB2_1:
0xe: {  	s0 =	simm.s32 $0x19200  }
0xf: {  	[tilespmem:s0], [sflag:$0x5] =	stream.linear.gather [hbm4b:s6+s2], $0x3200, $0x38;
	[tilespmem:$0x1C600] =	vst v63  }
0x10: {  	_ =	swait.ge [sflag:s14], $0x3200  }
0x11: {  	[sflag:s14] =	ssyncset.done $0x0  }
0x12: {  	[sflag:s14] =	ssyncadd.s32 $0xFFFFCE00  }
0x13: {  	[tilespmem:s2], [sflag:$0x5] =	stream.linear.gather [hbm4b:s10+s2], $0x80, $0x38;
	[tilespmem:$0x1C600] =	vst v63  }
0x14: {  	_ =	swait.ge [sflag:s14], $0x80  }
0x15: {  	[sflag:s14] =	ssyncset.done $0x0  }
0x16: {  	[sflag:s14] =	ssyncadd.s32 $0xFFFFFF80  }
0x17: {  	[tilespmem:s15], [sflag:$0x5] =	stream.linear.gather [hbm4b:s11+s2], $0x80, $0x38;
	[tilespmem:$0x1C600] =	vst v63  }
0x18: {  	_ =	swait.ge [sflag:s14], $0x80  }
0x19: {  	[sflag:s14] =	ssyncset.done $0x0  }
0x1a: {  	s30 =	simm.s32 $0x200;
	[sflag:s14] =	ssyncadd.s32 $0xFFFFFF80  }
0x1b: {  	[tilespmem:s30], [sflag:$0x1] =	stream.indirect.gather [hbm4b:s5+s16], $0x80, s2, s16, $0xb8;
	[tilespmem:$0x1C600] =	vst v63  }
0x1c: {  	s31 =	simm.s32 $0x2600;
	s29 =	simm.s32 $0x0  }
0x1d: {  	[tilespmem:s31], [sflag:$0x1] =	stream.indirect.gather [hbm4b:s5+s16], $0x80, s15, s16, $0xb8;
	[tilespmem:$0x1C600] =	vst v63  }
.LBB2_2:
0x1e: {  	s30 =	sshllo.u32 s29, $0x1  }
0x1f: {  	s31 =	sshll.u32 s29, $0x8;
	s0 =	sshll.u32 s30, $0x7  }
0x20: {  	p0 =	seq.s32 s29, $0x0;
	s3 =	sand.u32 $0x3C00, s31;
	s0 =	sand.u32 $0x380, s0  }
0x21: {  	s13 =	simm.s32 @!p0 $0x4;
	s0 =	sor.u32 s0, s3  }
0x22: {  	_ =	swait.ge @!p0 [sflag:s13], $0x6400;
	s0 =	sor.u32 s9, s0  }
0x23: {  	[sflag:s13] =	ssyncset.done @!p0 $0x0;
	s0 =	sshrl.u32 s0, $0x3  }
0x24: {  	[sflag:s13] =	ssyncadd.s32 @!p0 $0xFFFF9C00;
	s17 =	sadd.s32 s1, s0  }
0x25: {  	[tilespmem:s16], [sflag:$0x5] =	stream.linear.gather [hbm4b:s17+s2], $0x80, $0x38;
	[tilespmem:$0x1C600] =	vst v63  }
0x26: {  	_ =	swait.ge [sflag:s14], $0x80  }
0x27: {  	[sflag:s14] =	ssyncset.done $0x0  }
0x28: {  	s0 =	sadd.s32 s4, s0;
	[sflag:s14] =	ssyncadd.s32 $0xFFFFFF80  }
0x29: {  	[tilespmem:s19], [sflag:$0x5] =	stream.linear.gather [hbm4b:s0+s2], $0x80, $0x38;
	[tilespmem:$0x1C600] =	vst v63  }
0x2a: {  	_ =	swait.ge [sflag:s14], $0x80  }
0x2b: {  	[sflag:s14] =	ssyncset.done $0x0  }
0x2c: {  	[sflag:s14] =	ssyncadd.s32 $0xFFFFFF80  }
0x2d: {  	[tilespmem:s20], [sflag:$0x2] =	stream.indirect.gather [hbm4b:s5+s16], $0x80, s16, s16, $0xb8;
	[tilespmem:$0x1C600] =	vst v63  }
0x2e: {  	_ = 	snop  }
0x2f: {  	[tilespmem:s21], [sflag:$0x2] =	stream.indirect.gather [hbm4b:s5+s16], $0x80, s19, s16, $0xb8;
	[tilespmem:$0x1C600] =	vst v63  }
0x30: {  	_ =	swait.ge [sflag:s22], $0x4000  }
0x31: {  	[sflag:s22] =	ssyncset.done $0x0  }
0x32: {  	[sflag:s22] =	ssyncadd.s32 $0xFFFFC000  }
0x33: {  	_ =	swait.ge [sflag:s22], $0x4000  }
0x34: {  	s18 =	smul.u32 $0x190, s29;
	[sflag:s22] =	ssyncset.done $0x0  }
0x35: {  	s0 =	simm.s32 $0xB0;
	[sflag:s22] =	ssyncadd.s32 $0xFFFFC000  }
0x36: {  	s3 =	sadd.s32 s8, s18;
	s13 =	simm.s32 $0x19240;
	s17 =	simm.s32 $0x6C0;
	v0 =	vld [tilespmem:s0+$0x150]  }
.LBB2_3:
0x37: {  	p0 =	sne.s32 s17, $0x18EC0;
	v1 =	vld [tilespmem:s13+$0xFFFFFFC0];
	_ =	sdelay $0x4  }
0x38: {  	v0 =	vadd.f32 v1, v0;
	_ =	sdelay $0x1  }
0x39: {  	[tilespmem:s0+$0xC950] =	vst v0;
	v0 =	vld [tilespmem:s0+$0x160]  }
0x3a: {  	v1 =	vld [tilespmem:s13+$0xFFFFFFD0];
	_ =	sdelay $0x4  }
0x3b: {  	v0 =	vadd.f32 v1, v0;
	_ =	sdelay $0x1  }
0x3c: {  	[tilespmem:s0+$0xC960] =	vst v0;
	v0 =	vld [tilespmem:s0+$0x170]  }
0x3d: {  	v1 =	vld [tilespmem:s13+$0xFFFFFFE0];
	_ =	sdelay $0x4  }
0x3e: {  	v0 =	vadd.f32 v1, v0;
	_ =	sdelay $0x1  }
0x3f: {  	[tilespmem:s0+$0xC970] =	vst v0;
	v0 =	vld [tilespmem:s0+$0x180]  }
0x40: {  	v1 =	vld [tilespmem:s13+$0xFFFFFFF0];
	_ =	sdelay $0x4  }
0x41: {  	v0 =	vadd.f32 v1, v0;
	_ =	sdelay $0x1  }
0x42: {  	[tilespmem:s0+$0xC980] =	vst v0;
	v0 =	vld [tilespmem:s0+$0x1D0]  }
0x43: {  	v1 =	vld [tilespmem:s13+$0x0];
	_ =	sdelay $0x4  }
0x44: {  	v0 =	vadd.f32 v1, v0;
	_ =	sdelay $0x1  }
0x45: {  	[tilespmem:s0+$0xC9D0] =	vst v0;
	v0 =	vld [tilespmem:s0+$0x1E0]  }
0x46: {  	v1 =	vld [tilespmem:s13+$0x10];
	_ =	sdelay $0x4  }
0x47: {  	v0 =	vadd.f32 v1, v0;
	_ =	sdelay $0x1  }
0x48: {  	[tilespmem:s0+$0xC9E0] =	vst v0;
	v0 =	vld [tilespmem:s0+$0x1F0]  }
0x49: {  	v1 =	vld [tilespmem:s13+$0x20];
	_ =	sdelay $0x4  }
0x4a: {  	v0 =	vadd.f32 v1, v0;
	_ =	sdelay $0x1  }
0x4b: {  	[tilespmem:s0+$0xC9F0] =	vst v0;
	v0 =	vld [tilespmem:s0+$0x200]  }
0x4c: {  	v1 =	vld [tilespmem:s13+$0x30];
	_ =	sdelay $0x2  }
.Ltmp0:
0x4d: {  	(pc) =	sbr.rel @p0 .LBB2_3-.Ltmp0, $4  }
0x4e: {  	_ = 	snop  }
0x4f: {  	v1 =	vadd.f32 v1, v0  }
0x50: {  	s18 =	sshra.s32 s17, $0x2  }
0x51: {  	s17 =	sadd.s32 $0x400, s17;
	s13 =	sadd.s32 $0x80, s13;
	v0 =	vld [tilespmem:s18+$0x150];
	[tilespmem:s0+$0xCA00] =	vst v1;
	s0 =	smov.u32 s18  }
0x52: {  	v1 =	vld [tilespmem:s13+$0xFFFFFFC0];
	_ =	sdelay $0x4  }
0x53: {  	v0 =	vadd.f32 v1, v0;
	_ =	sdelay $0x1  }
0x54: {  	[tilespmem:s0+$0xC950] =	vst v0;
	v0 =	vld [tilespmem:s0+$0x160]  }
0x55: {  	v1 =	vld [tilespmem:s13+$0xFFFFFFD0];
	_ =	sdelay $0x4  }
0x56: {  	v0 =	vadd.f32 v1, v0;
	_ =	sdelay $0x1  }
0x57: {  	[tilespmem:s0+$0xC960] =	vst v0;
	v0 =	vld [tilespmem:s0+$0x170]  }
0x58: {  	v1 =	vld [tilespmem:s13+$0xFFFFFFE0];
	_ =	sdelay $0x4  }
0x59: {  	v0 =	vadd.f32 v1, v0;
	_ =	sdelay $0x1  }
0x5a: {  	[tilespmem:s0+$0xC970] =	vst v0;
	v0 =	vld [tilespmem:s0+$0x180]  }
0x5b: {  	v1 =	vld [tilespmem:s13+$0xFFFFFFF0];
	_ =	sdelay $0x4  }
0x5c: {  	v0 =	vadd.f32 v1, v0;
	_ =	sdelay $0x1  }
0x5d: {  	[tilespmem:s0+$0xC980] =	vst v0;
	v0 =	vld [tilespmem:s0+$0x1D0]  }
0x5e: {  	v1 =	vld [tilespmem:s13+$0x0];
	_ =	sdelay $0x4  }
0x5f: {  	v0 =	vadd.f32 v1, v0;
	_ =	sdelay $0x1  }
0x60: {  	[tilespmem:s0+$0xC9D0] =	vst v0;
	v0 =	vld [tilespmem:s0+$0x1E0]  }
0x61: {  	v1 =	vld [tilespmem:s13+$0x10];
	_ =	sdelay $0x4  }
0x62: {  	v0 =	vadd.f32 v1, v0;
	_ =	sdelay $0x1  }
0x63: {  	[tilespmem:s0+$0xC9E0] =	vst v0;
	v0 =	vld [tilespmem:s0+$0x1F0]  }
0x64: {  	v1 =	vld [tilespmem:s13+$0x20];
	_ =	sdelay $0x4  }
0x65: {  	v0 =	vadd.f32 v1, v0;
	_ =	sdelay $0x1  }
0x66: {  	[tilespmem:s0+$0xC9F0] =	vst v0;
	v0 =	vld [tilespmem:s0+$0x200]  }
0x67: {  	v1 =	vld [tilespmem:s13+$0x30];
	_ =	sdelay $0x4  }
0x68: {  	v0 =	vadd.f32 v1, v0  }
0x69: {  	s3 =	sshll.u32 s3, $0x4;
	p0 =	seq.s32 s29, $0x3F  }
0x6a: {  	s18 =	sadd.s32 s7, s3;
	[tilespmem:s0+$0xCA00] =	vst v0;
	s0 =	sadd.s32 @!p0 $0x100, s31  }
0x6b: {  	[hbm4b:s18+s2] =	stream.linear.scatter [tilespmem:s23], [sflag:$0x3], $0x6400, $0x38;
	[tilespmem:$0x1C600] =	vst v63  }
0x6c: {  	s3 =	sand.u32 @!p0 $0x7C00, s0  }
0x6d: {  	s13 =	simm.s32 @!p0 $0x3;
	s0 =	sand.u32 @!p0 $0x300, s0;
	s3 =	sadd.s32 @!p0 s9, s3  }
0x6e: {  	_ =	swait.ge @!p0 [sflag:s13], $0x6400;
	s0 =	sor.u32 @!p0 s0, s3  }
0x6f: {  	[sflag:s13] =	ssyncset.done @!p0 $0x0;
	s0 =	sshrl.u32 @!p0 s0, $0x3  }
0x70: {  	[sflag:s13] =	ssyncadd.s32 @!p0 $0xFFFF9C00;
	s13 =	simm.s32 @!p0 $0x0;
	s3 =	sadd.s32 @!p0 s1, s0  }
0x71: {  	[tilespmem:s13], [sflag:$0x5] =	stream.linear.gather @!p0 [hbm4b:s3+s13], $0x80, $0x38;
	[tilespmem:$0x1C600] =	vst v63  }
0x72: {  	s3 =	simm.s32 @!p0 $0x5  }
0x73: {  	_ =	swait.ge @!p0 [sflag:s3], $0x80  }
0x74: {  	[sflag:s3] =	ssyncset.done @!p0 $0x0  }
0x75: {  	s17 =	simm.s32 @!p0 $0x100;
	s0 =	sadd.s32 @!p0 s4, s0;
	[sflag:s3] =	ssyncadd.s32 @!p0 $0xFFFFFF80  }
0x76: {  	[tilespmem:s17], [sflag:$0x5] =	stream.linear.gather @!p0 [hbm4b:s0+s13], $0x80, $0x38;
	[tilespmem:$0x1C600] =	vst v63  }
0x77: {  	_ =	swait.ge @!p0 [sflag:s3], $0x80  }
0x78: {  	[sflag:s3] =	ssyncset.done @!p0 $0x0  }
0x79: {  	s0 =	simm.s32 @!p0 $0x80;
	[sflag:s3] =	ssyncadd.s32 @!p0 $0xFFFFFF80;
	s3 =	simm.s32 @!p0 $0x200  }
0x7a: {  	[tilespmem:s3], [sflag:$0x1] =	stream.indirect.gather @!p0 [hbm4b:s5+s0], $0x80, s13, s0, $0xb8;
	[tilespmem:$0x1C600] =	vst v63  }
0x7b: {  	s3 =	simm.s32 @!p0 $0x2600  }
0x7c: {  	[tilespmem:s3], [sflag:$0x1] =	stream.indirect.gather @!p0 [hbm4b:s5+s0], $0x80, s17, s0, $0xb8;
	[tilespmem:$0x1C600] =	vst v63  }
0x7d: {  	_ =	swait.ge [sflag:s24], $0x4000  }
0x7e: {  	[sflag:s24] =	ssyncset.done $0x0  }
0x7f: {  	[sflag:s24] =	ssyncadd.s32 $0xFFFFC000  }
0x80: {  	_ =	swait.ge [sflag:s24], $0x4000  }
0x81: {  	s31 =	smul.u32 $0xC8, s30;
	[sflag:s24] =	ssyncset.done $0x0  }
0x82: {  	s0 =	simm.s32 $0x0;
	[sflag:s24] =	ssyncadd.s32 $0xFFFFC000  }
0x83: {  	s13 =	simm.s32 $0x19240;
	s3 =	sadd.s32 s8, s31;
	s17 =	simm.s32 $0x400;
	v0 =	vld [tilespmem:s0+$0x6600]  }
.LBB2_5:
0x84: {  	p0 =	sne.s32 s17, $0x18C00;
	v1 =	vld [tilespmem:s13+$0xFFFFFFC0];
	_ =	sdelay $0x4  }
0x85: {  	v0 =	vadd.f32 v1, v0;
	_ =	sdelay $0x1  }
0x86: {  	[tilespmem:s0+$0x12E00] =	vst v0;
	v0 =	vld [tilespmem:s0+$0x6610]  }
0x87: {  	v1 =	vld [tilespmem:s13+$0xFFFFFFD0];
	_ =	sdelay $0x4  }
0x88: {  	v0 =	vadd.f32 v1, v0;
	_ =	sdelay $0x1  }
0x89: {  	[tilespmem:s0+$0x12E10] =	vst v0;
	v0 =	vld [tilespmem:s0+$0x6620]  }
0x8a: {  	v1 =	vld [tilespmem:s13+$0xFFFFFFE0];
	_ =	sdelay $0x4  }
0x8b: {  	v0 =	vadd.f32 v1, v0;
	_ =	sdelay $0x1  }
0x8c: {  	[tilespmem:s0+$0x12E20] =	vst v0;
	v0 =	vld [tilespmem:s0+$0x6630]  }
0x8d: {  	v1 =	vld [tilespmem:s13+$0xFFFFFFF0];
	_ =	sdelay $0x4  }
0x8e: {  	v0 =	vadd.f32 v1, v0;
	_ =	sdelay $0x1  }
0x8f: {  	[tilespmem:s0+$0x12E30] =	vst v0;
	v0 =	vld [tilespmem:s0+$0x6680]  }
0x90: {  	v1 =	vld [tilespmem:s13+$0x0];
	_ =	sdelay $0x4  }
0x91: {  	v0 =	vadd.f32 v1, v0;
	_ =	sdelay $0x1  }
0x92: {  	[tilespmem:s0+$0x12E80] =	vst v0;
	v0 =	vld [tilespmem:s0+$0x6690]  }
0x93: {  	v1 =	vld [tilespmem:s13+$0x10];
	_ =	sdelay $0x4  }
0x94: {  	v0 =	vadd.f32 v1, v0;
	_ =	sdelay $0x1  }
0x95: {  	[tilespmem:s0+$0x12E90] =	vst v0;
	v0 =	vld [tilespmem:s0+$0x66A0]  }
0x96: {  	v1 =	vld [tilespmem:s13+$0x20];
	_ =	sdelay $0x4  }
0x97: {  	v0 =	vadd.f32 v1, v0;
	_ =	sdelay $0x1  }
0x98: {  	[tilespmem:s0+$0x12EA0] =	vst v0;
	v0 =	vld [tilespmem:s0+$0x66B0]  }
0x99: {  	v1 =	vld [tilespmem:s13+$0x30];
	_ =	sdelay $0x2  }
.Ltmp1:
0x9a: {  	(pc) =	sbr.rel @p0 .LBB2_5-.Ltmp1, $4  }
0x9b: {  	_ = 	snop  }
0x9c: {  	v1 =	vadd.f32 v1, v0  }
0x9d: {  	s18 =	sshra.s32 s17, $0x2  }
0x9e: {  	s17 =	sadd.s32 $0x400, s17;
	s13 =	sadd.s32 $0x80, s13;
	v0 =	vld [tilespmem:s18+$0x6600];
	[tilespmem:s0+$0x12EB0] =	vst v1;
	s0 =	smov.u32 s18  }
0x9f: {  	v1 =	vld [tilespmem:s13+$0xFFFFFFC0];
	_ =	sdelay $0x4  }
0xa0: {  	v0 =	vadd.f32 v1, v0;
	_ =	sdelay $0x1  }
0xa1: {  	v50 =	vld [tilespmem:s0+$0x6610];
	[tilespmem:s0+$0x12E00] =	vst v0  }
0xa2: {  	v51 =	vld [tilespmem:s13+$0xFFFFFFD0];
	_ =	sdelay $0x4  }
0xa3: {  	v0 =	vadd.f32 v51, v50;
	_ =	sdelay $0x1  }
0xa4: {  	v52 =	vld [tilespmem:s0+$0x6620];
	[tilespmem:s0+$0x12E10] =	vst v0  }
0xa5: {  	v53 =	vld [tilespmem:s13+$0xFFFFFFE0];
	_ =	sdelay $0x4  }
0xa6: {  	v0 =	vadd.f32 v53, v52;
	_ =	sdelay $0x1  }
0xa7: {  	v54 =	vld [tilespmem:s0+$0x6630];
	[tilespmem:s0+$0x12E20] =	vst v0  }
0xa8: {  	v55 =	vld [tilespmem:s13+$0xFFFFFFF0];
	_ =	sdelay $0x4  }
0xa9: {  	v0 =	vadd.f32 v55, v54;
	_ =	sdelay $0x1  }
0xaa: {  	v56 =	vld [tilespmem:s0+$0x6680];
	[tilespmem:s0+$0x12E30] =	vst v0  }
0xab: {  	v57 =	vld [tilespmem:s13+$0x0];
	_ =	sdelay $0x4  }
0xac: {  	v0 =	vadd.f32 v57, v56;
	_ =	sdelay $0x1  }
0xad: {  	v58 =	vld [tilespmem:s0+$0x6690];
	[tilespmem:s0+$0x12E80] =	vst v0  }
0xae: {  	v59 =	vld [tilespmem:s13+$0x10];
	_ =	sdelay $0x4  }
0xaf: {  	v0 =	vadd.f32 v59, v58;
	_ =	sdelay $0x1  }
0xb0: {  	v60 =	vld [tilespmem:s0+$0x66A0];
	[tilespmem:s0+$0x12E90] =	vst v0  }
0xb1: {  	v61 =	vld [tilespmem:s13+$0x20];
	_ =	sdelay $0x4  }
0xb2: {  	v0 =	vadd.f32 v61, v60;
	_ =	sdelay $0x1  }
0xb3: {  	v62 =	vld [tilespmem:s0+$0x66B0];
	[tilespmem:s0+$0x12EA0] =	vst v0  }
0xb4: {  	v63 =	vld [tilespmem:s13+$0x30];
	_ =	sdelay $0x1  }
0xb5: {  	s29 =	sadd.s32 $0x1, s29  }
0xb6: {  	p0 =	sne.s32 s29, $0x40  }
.Ltmp2:
0xb7: {  	_ = 	snop;
	(pc) =	sbr.rel @p0 .LBB2_2-.Ltmp2, $4  }
0xb8: {  	v0 =	vadd.f32 v63, v62  }
0xb9: {  	s3 =	sshll.u32 s3, $0x4  }
0xba: {  	s31 =	sadd.s32 s7, s3;
	[tilespmem:s0+$0x12EB0] =	vst v0  }
0xbb: {  	[hbm4b:s31+s2] =	stream.linear.scatter [tilespmem:s25], [sflag:$0x4], $0x6400, $0x38;
	[tilespmem:$0x1C600] =	vst v63  }
0xbc: {  	s28 =	sadd.s32 $0x1, s28  }
0xbd: {  	p0 =	sne.s32 s28, s12  }
.Ltmp3:
0xbe: {  	_ = 	snop;
	(pc) =	sbr.rel @p0 .LBB2_1-.Ltmp3, $4  }
0xbf: {  	_ = 	snop  }
0xc0: {  	_ =	swait.ge [sflag:s26], $0x6400  }
0xc1: {  	[sflag:s26] =	ssyncset.done $0x0  }
0xc2: {  	[sflag:s26] =	ssyncadd.s32 $0xFFFF9C00  }
0xc3: {  	_ =	sfence.sel $0x180000  }
0xc4: {  	[bflag:$0x0] =	sbarrier.arrive $0xFFFF  }
0xc5: {  	_ =	strace $0x90000047  }
0xc6: {  	s0 =	stileid.u32;
	[bflag:$0x2] =	sbarrier.arrive $0xFFFF  }
0xc7: {  	p0 =	sne.s32 s0, $0x0;
	s0 =	rddreg [dreg:$0x2]  }
0xc8: {  	s0 =	sadd.s32 @!p0 $0x100000, s0  }
0xc9: {  	[sflag:s0] =	ssyncadd.tile.s32 @!p0 $0x1;
	_ =	shalt  }
.Lfunc_end2:
_tile_overlayer_lowered:
.L_overlay_start_2:
0xca: {  	(tag) =	ssettag $0x2  }
0xcb: {  	s0 =	rddreg [dreg:$0x0];
	s2 =	stileid.u32  }
0xcc: {  	s1 =	rddreg [dreg:$0x1];
	p0 =	sne.s32 s2, $0x0  }
0xcd: {  	s3 =	rddreg [dreg:$0x2];
	[bflag:$0x3] =	sbarrier.arrive $0xFFFF;
	s2 =	simm.s32 @!p0 $0x1C05  }
0xce: {  	[timem:s3], [sflag:s2] =	dma.local @!p0 [hbm:s0], s1  }
0xcf: {  	s0 =	simm.s32 @!p0 $0x5  }
0xd0: {  	_ =	swait.ge @!p0 [sflag:s0], s1  }
0xd1: {  	s1 =	ssub.s32 @!p0 $0x0, s1;
	[sflag:s0] =	ssyncset.done @!p0 $0x0  }
0xd2: {  	[sflag:s0] =	ssyncadd.s32 @!p0 s1  }
0xd3: {  	[bflag:$0x3] =	sbarrier.arrive $0xFFFF  }
0xd4: {  	_ =	shalt  }

// kernel: sparse-core-data-format-call.cloned.1.call-start
scs
called_computation_lowered:
.L_overlay_start_0:
0x0: {  	s2 =	sld [smem:$0x3FD9]  }
0x1: {  	s3 =	sld [smem:$0x3FFE];
	_ =	sdelay $0x1  }
0x2: {  	s1 =	srdreg.scid  }
0x3: {  	s0 =	sand.u32 $0x1, s1  }
0x4: {  	s18 =	sshll.u32 s0, $0xA;
	s2 =	sadd.s32 s3, s2  }
0x5: {  	s2 =	sadd.s32 s2, s18  }
0x6: {  	[smem:$0x3FC5] =	sst s2  }
0x7: {  	_ = 	snop  }
0x8: {  	s2 =	sld [smem:$0x3FD0];
	(tm) =	ssettm $0x1  }
0x9: {  	s19 =	sld [smem:$0x3FFB];
	_ =	sdelay $0x3  }
0xa: {  	_ =	strace s19  }
0xb: {  	s3 =	sld [smem:$0x3FFC];
	_ =	sdelay $0x3  }
0xc: {  	_ =	strace s3  }
0xd: {  	s3 =	sld [smem:$0x3FFD];
	_ =	sdelay $0x3  }
0xe: {  	_ =	strace s3  }
0xf: {  	_ =	strace $0x8FFFFFFF  }
0x10: {  	s20 =	sld [smem:$0x3FDB];
	_ =	sdelay $0x1  }
0x11: {  	s4 =	simm.s32 $_scs_section_size  }
0x12: {  	s5 =	simm.s32 $_size__tile_overlayer_lowered;
	s6 =	simm.s32 $_tile_overlayer_lowered  }
0x13: {  	s23 =	simm.s32 $0x1BFF;
	s22 =	sshll.u32 s6, $0x1;
	s3 =	sadd.s32 s4, s20  }
0x14: {  	s7 =	simm.s32 $0x0;
	s21 =	sshll.u32 s5, $0x1;
	s5 =	sadd.s32 s22, s3  }
0x15: {  	[timem:s7], [sflag:s23] =	dma.local [hbm:s5], s21  }
0x16: {  	_ =	swait.ge [sflag:s23], s21  }
0x17: {  	s4 =	ssub.s32 $0x0, s21;
	[sflag:s23] =	ssyncset.done $0x0  }
0x18: {  	[sflag:s23] =	ssyncadd.s32 s4;
	_ =	sdelay $0x1  }
0x19: {  	s24 =	simm.s32 $0x1B8B  }
0x1a: {  	_ =	swait.ge [sflag:s24], $0x1  }
0x1b: {  	[sflag:s24] =	ssyncset.done $0x0  }
0x1c: {  	s26 =	simm.s32 $0x1B8E;
	s25 =	sld [smem:$0x3FFE];
	[sflag:s24] =	ssyncadd.s32 $0xFFFFFFFF  }
0x1d: {  	s27 =	simm.s32 $execute0_lowered;
	[smem:$0x3FD2] =	sst s26  }
0x1e: {  	s5 =	sshll.u32 s27, $0x1;
	_ =	strace $0x80000049;
	[dreg:$0x1] =	wrdreg $0xFFFFFFFF  }
0x1f: {  	s28 =	simm.s32 $_size_execute0_lowered;
	s3 =	sadd.s32 s3, s5;
	[dreg:$0x0] =	wrdreg $0x0  }
0x20: {  	s5 =	sshll.u32 s28, $0x1;
	[dreg:$0x2] =	wrdreg s3  }
0x21: {  	[dreg:$0x3] =	wrdreg s5  }
0x22: {  	[dreg:$0x4] =	wrdreg $0xC0  }
0x23: {  	_ =	task [dreg:s7], $0x5FFFF  }
0x24: {  	[dreg:$0x1] =	wrdreg $0xFFFFFFFF  }
0x25: {  	[dreg:$0x0] =	wrdreg $0x60  }
0x26: {  	[dreg:$0x2] =	wrdreg s25  }
0x27: {  	[dreg:$0x3] =	wrdreg s2  }
0x28: {  	[dreg:$0x4] =	wrdreg $0x9  }
0x29: {  	_ =	task.clear_ibuf [dreg:s7], $0x5FFFF;
	_ =	strace $0x90000049  }
0x2a: {  	s29 =	simm.s32 $0x9;
	_ =	strace $0x8000004B  }
0x2b: {  	_ =	swait.ge [sflag:s29], $0x1  }
0x2c: {  	[sflag:s29] =	ssyncadd.s32 $0xFFFFFFFF  }
0x2d: {  	_ =	strace $0x9000004B  }
0x2e: {  	_ =	sfence  }
0x2f: {  	s30 =	sld [smem:$0x0];
	_ =	sdelay $0x2  }
0x30: {  	s31 =	sshll.u32 s1, $0xD;
	s1 =	sshrl.u32 s1, $0x2  }
0x31: {  	s3 =	sand.u32 $0x4000, s31;
	s1 =	sadd.s32 s1, s30  }
0x32: {  	s0 =	sor.u32 s3, s0;
	s1 =	sshll.u32 s1, $0x11  }
0x33: {  	s0 =	sor.u32 s1, s0  }
0x34: {  	s0 =	sadd.s32 $0x8F2B, s0  }
0x35: {  	[sflag:s0] =	ssyncadd.remote.s32 $0x1  }
0x36: {  	_ =	sfence.sel $0xFFFF  }
0x37: {  	[dreg:$0x0] =	wrdreg $0xFFFFFFFF;
	(pc) =	sbr.abs _section_cstart, $3  }
0x38: {  	[dreg:$0x1] =	wrdreg $0xFFFFFFFF  }
0x39: {  	_ =	task.clear_ibuf [dreg:s7], $0x2FFFF;
	_ =	strace $0x9FFFFFFF  }
0x3a: {  	(tm) =	ssettm $0x7FFFFFFF  }
0x3b: {  	_ =	shalt  }
tec
execute0_lowered:
.L_overlay_start_1:
0x0: {  	(tag) =	ssettag $0x1  }
0x1: {  	s0 =	srdreg.scid  }
0x2: {  	s1 =	sshll.u32 s0, $0x4  }
0x3: {  	s0 =	stileid.u32;
	s1 =	sand.u32 $0x10, s1  }
0x4: {  	s1 =	sor.u32 s0, s1  }
0x5: {  	s6 =	rddreg [dreg:$0x0];
	s4 =	simm.s32 $0x1;
	s2 =	sshll.u32 s1, $0x7  }
0x6: {  	s7 =	simm.s32 $0x2;
	s12 =	simm.s32 $0x0;
	s1 =	ssub.s32 $0x1000, s2  }
0x7: {  	s8 =	simm.s32 $0x8000;
	s13 =	simm.s32 $0x0;
	s3 =	sand.u32 $0xF80, s1  }
0x8: {  	s9 =	simm.s32 $0x0;
	s5 =	sshrl.u32 s1, $0xC;
	p0 =	sne.s32 s3, $0x0  }
.Ltmp0:
0x9: {  	s1 =	rddreg [dreg:$0x2];
	s4 =	simm.s32 @!p0 $0x0;
	(pc) =	sbr.rel .LBB1_1-.Ltmp0, $4  }
0xa: {  	s11 =	simm.s32 $0x0;
	s3 =	rddreg [dreg:$0x1];
	s5 =	sadd.s32 s4, s5  }
0xb: {  	_ =	strace $0x8000004A;
	s4 =	simm.s32 $0x1;
	s5 =	smul.u32 $0xC8, s5  }
0xc: {  	s6 =	sadd.s32 $0x10C00, s6;
	s10 =	smov.u32 s2;
	[sflag:s4] =	ssyncpa.u1 $0x0  }
0xd: {  	p0 =	por $0x0, $0x0;
	[sflag:s7] =	ssyncpa.u1 $0x0;
	s7 =	sor.u32 $0x1, s5  }
.LBB1_4:
0xe: {  	s16 =	sshll.u32 s13, $0x3;
	s17 =	sand.u32 $0x78, s13  }
0xf: {  	s30 =	sand.u32 $0x7E00, s13;
	s12 =	sshll.u32 s12, $0xF;
	s16 =	sand.u32 $0xC00, s16  }
0x10: {  	[tilespmem:s15+$0x810 ss:$0x81] =	vst.msk $0xffff, v2;
	s31 =	sand.u32 $0x7, s13;
	s16 =	sor.u32 s17, s16;
	s17 =	sadd.s32 s3, s30  }
0x11: {  	[tilespmem:s15+$0x1020 ss:$0x81] =	vst.msk $0xffff, v0;
	s13 =	sshll.u32 s31, $0x12;
	s12 =	sadd.s32 s12, s17;
	s16 =	sshrl.u32 s16, $0x3  }
0x12: {  	[tilespmem:s15+$0x0 ss:$0x81] =	vst.msk $0xffff, v1;
	s13 =	sor.u32 $0x400, s13;
	s12 =	sadd.s32 s16, s12  }
0x13: {  	[hbm4b:s12+s13] =	stream.strided.scatter [tilespmem:s14], [sflag:$0x2], $0x2000, s8, s13, $0x20;
	[tilespmem:$0x8080] =	vst v63  }
.LBB1_5:
0x14: {  	s14 =	sadd.s32 $0x1, s9  }
0x15: {  	s12 =	sadd.s32 $0x1000, s10;
	s16 =	smov.u32 s10;
	p2 =	sgt.s32 s14, $0xC7  }
0x16: {  	s16 =	smov.u32 @p2 s12  }
0x17: {  	s14 =	simm.s32 @p2 $0x0;
	p2 =	sgt.s32 s16, $0xFFF  }
0x18: {  	s16 =	smov.u32 @p2 s2;
	p2 =	sne.s32 s11, s7  }
.Ltmp1:
0x19: {  	p1 =	slt.u32 s11, $0x2;
	(pc) =	sbr.rel @!p2 .LBB1_6-.Ltmp1, $4  }
0x1a: {  	s15 =	simm.s32 @!p1 $0x2  }
0x1b: {  	s13 =	smov.u32 s10;
	p0 =	por !p0, !p0;
	_ =	swait.ge @!p1 [sflag:s15], $0x2000  }
0x1c: {  	s12 =	smov.u32 s9;
	[sflag:s15] =	ssyncset.done @!p1 $0x0;
	s9 =	smov.u32 s14  }
0x1d: {  	s11 =	sadd.s32 $0x1, s11;
	[sflag:s15] =	ssyncadd.s32 @!p1 $0xFFFFE000;
	s10 =	smov.u32 s16  }
.LBB1_1:
0x1e: {  	p1 =	sge.u32 s11, s5  }
0x1f: {  	s14 =	sand.u32 @!p1 $0x1FFFFFF, s9  }
0x20: {  	s15 =	smulhi.u32 @!p1 $0x147AE15, s14;
	_ =	sdelay $0x1  }
0x21: {  	s15 =	smul.u32 @!p1 $0xC8, s15  }
0x22: {  	s16 =	sxor.u32 @!p1 $0xFFFFFFFF, s11;
	s17 =	smul.u32 @!p1 $0xC80, s10  }
0x23: {  	s31 =	sadd.s32 $0xFFFFFFFF, s11;
	s16 =	sshll.u32 @!p1 s16, $0xD;
	s14 =	ssub.s32 @!p1 s14, s15  }
0x24: {  	s15 =	sand.u32 @!p1 $0x2000, s16;
	s16 =	sadd.s32 @!p1 s6, s17;
	s14 =	sshll.u32 @!p1 s14, $0x4  }
0x25: {  	s17 =	simm.s32 @!p1 $0x6400;
	s14 =	sadd.s32 @!p1 s14, s16;
	s16 =	simm.s32 @!p1 $0x40  }
0x26: {  	[tilespmem:s15], [sflag:$0x1] =	stream.strided.gather @!p1 [hbm4b:s14+s16], $0x2000, s17, s16, $0x38;
	[tilespmem:$0x8080] =	vst v63  }
0x27: {  	p1 =	sge.u32 s31, s5  }
.Ltmp2:
0x28: {  	_ = 	snop;
	(pc) =	sbr.rel @p1 .LBB1_5-.Ltmp2, $1  }
0x29: {  	_ =	sdelay $0x3  }
0x2a: {  	s14 =	simm.s32 $0x1  }
0x2b: {  	_ =	swait.ge [sflag:s4], $0x2000;
	s14 =	simm.s32 @!p0 $0x0  }
0x2c: {  	[sflag:s4] =	ssyncset.done $0x0;
	s15 =	sshll.u32 s14, $0xD  }
0x2d: {  	[sflag:s4] =	ssyncadd.s32 $0xFFFFE000;
	s18 =	sor.u32 $0x20, s15  }
0x2e: {  	s14 =	smul.u32 $0x8100, s14;
	v3 =	vld [tilespmem:s18+$0x10]  }
0x2f: {  	s30 =	sand.u32 $0x1, s11;
	v2 =	vld [tilespmem:s18+$0xFFFFFFF0]  }
0x30: {  	s15 =	smul.u32 $0x8100, s30;
	s14 =	sshrl.u32 s14, $0x2;
	v0 =	vld [tilespmem:s18+$0x0]  }
0x31: {  	v1 =	vld [tilespmem:s18+$0xFFFFFFE0];
	s16 =	sor.u32 $0x4000, s14  }
0x32: {  	s31 =	sshrl.u32 s15, $0x2;
	s15 =	sadd.s32 $0x0, s16  }
0x33: {  	s17 =	simm.s32 $0x4;
	s18 =	sadd.s32 $0x40, s18;
	s14 =	sor.u32 $0x4000, s31;
	[tilespmem:s15+$0x1830 ss:$0x81] =	vst.msk $0xffff, v3  }
.LBB1_3:
0x34: {  	v3 =	vld [tilespmem:s18+$0x10];
	p1 =	sne.s32 s17, $0x1FC;
	[tilespmem:s15+$0x810 ss:$0x81] =	vst.msk $0xffff, v2;
	s19 =	smov.u32 s17;
	s17 =	sadd.s32 $0x4, s17  }
.Ltmp3:
0x35: {  	v2 =	vld [tilespmem:s18+$0xFFFFFFF0];
	[tilespmem:s15+$0x1020 ss:$0x81] =	vst.msk $0xffff, v0;
	(pc) =	sbr.rel @p1 .LBB1_3-.Ltmp3, $4  }
0x36: {  	v0 =	vld [tilespmem:s18+$0x0];
	[tilespmem:s15+$0x0 ss:$0x81] =	vst.msk $0xffff, v1  }
0x37: {  	s15 =	sshra.s32 s19, $0x2;
	v1 =	vld [tilespmem:s18+$0xFFFFFFE0]  }
0x38: {  	s15 =	sadd.s32 s15, s16  }
0x39: {  	s18 =	sadd.s32 $0x40, s18;
	[tilespmem:s15+$0x1830 ss:$0x81] =	vst.msk $0xffff, v3  }
.Ltmp4:
0x3a: {  	_ = 	snop;
	(pc) =	sbr.rel .LBB1_4-.Ltmp4, $1  }
0x3b: {  	_ =	sdelay $0x3  }
.LBB1_6:
0x3c: {  	_ =	sfence.sel $0x180000  }
0x3d: {  	s2 =	simm.s32 $0x1;
	[bflag:$0x0] =	sbarrier.arrive $0xFFFF  }
0x3e: {  	s31 =	simm.s32 $0x2;
	[sflag:s2] =	ssyncpa.u1 $0x1  }
0x3f: {  	[sflag:s31] =	ssyncpa.u1 $0x1  }
0x40: {  	p0 =	sne.s32 s0, $0x0;
	_ =	strace $0x9000004A  }
0x41: {  	s0 =	sadd.s32 @!p0 $0x100000, s1;
	[bflag:$0x2] =	sbarrier.arrive $0xFFFF  }
0x42: {  	[sflag:s0] =	ssyncadd.tile.s32 @!p0 $0x1;
	_ =	shalt  }
.Lfunc_end1:
_tile_overlayer_lowered:
.L_overlay_start_2:
0x43: {  	(tag) =	ssettag $0x2  }
0x44: {  	s0 =	rddreg [dreg:$0x0];
	s2 =	stileid.u32  }
0x45: {  	s1 =	rddreg [dreg:$0x1];
	p0 =	sne.s32 s2, $0x0  }
0x46: {  	s3 =	rddreg [dreg:$0x2];
	[bflag:$0x3] =	sbarrier.arrive $0xFFFF;
	s2 =	simm.s32 @!p0 $0x1C01  }
0x47: {  	[timem:s3], [sflag:s2] =	dma.local @!p0 [hbm:s0], s1  }
0x48: {  	s0 =	simm.s32 @!p0 $0x1  }
0x49: {  	_ =	swait.ge @!p0 [sflag:s0], s1  }
0x4a: {  	s1 =	ssub.s32 @!p0 $0x0, s1;
	[sflag:s0] =	ssyncset.done @!p0 $0x0  }
0x4b: {  	[sflag:s0] =	ssyncadd.s32 @!p0 s1  }
0x4c: {  	[bflag:$0x3] =	sbarrier.arrive $0xFFFF  }
0x4d: {  	_ =	shalt  }

</sc_bundles>
